<compile_context>
chip_gen: v7x
topology: tpu7x:2x2x1
jax: 0.10.2.dev20260603
libtpu: 0.0.44.dev20260713+nightly
codegen_flags: <defaults>
</compile_context>

<pallas_src>
import functools
import math

import jax
import jax.numpy as jnp
from jax import lax
from jax.experimental import pallas as pl
from jax.experimental.pallas import tpu as pltpu
from jax.experimental.pallas import tpu_sc as plsc

_NB = 32
_MD = 128
_BR = 512
_S = 2048

_WC = _S - 1
_VL = 4608
_NW = 32
_CHUNK = _VL // _NW


def _bucket_kernel(o_ref):
    x = jax.lax.broadcasted_iota(jnp.int32, (1, _VL), 1)
    d = x - _WC
    rb = jnp.where(d > 0, _NB // 2, 0)
    a = jnp.abs(d)
    af = a.astype(jnp.float32)
    rp_if_large = _MD + jnp.log(af / _MD) / math.log(_MD / _NB) * (_NB - _MD)
    rp_if_large = jnp.minimum(rp_if_large, _MD - 1)
    large = rb.astype(jnp.float32) + rp_if_large
    small = (a + rb).astype(jnp.float32)
    out = jnp.where(a < _MD, small, large)
    o_ref[...] = jnp.clip(out, 0, _NB - 1).astype(jnp.int32)


def _bucket_diag():
    return pl.pallas_call(
        _bucket_kernel,
        out_shape=jax.ShapeDtypeStruct((1, _VL), jnp.int32),
    )()


@functools.partial(
    pl.kernel,
    mesh=plsc.VectorSubcoreMesh(core_axis_name="c", subcore_axis_name="s"),
    out_type=jax.ShapeDtypeStruct((_VL,), jnp.float32),
    scratch_types=[
        pltpu.VMEM((_NB,), jnp.float32),
        pltpu.VMEM((_CHUNK,), jnp.int32),
        pltpu.VMEM((_CHUNK,), jnp.float32),
    ],
)
def _sc_lookup(table_hbm, bucket_hbm, out_hbm, tab_v, idx_v, val_v):
    wid = lax.axis_index("s") * 2 + lax.axis_index("c")
    base = wid * _CHUNK
    pltpu.sync_copy(table_hbm, tab_v)
    pltpu.sync_copy(bucket_hbm.at[pl.ds(base, _CHUNK)], idx_v)
    tab_lo = tab_v[pl.ds(0, 16)]
    tab_hi = tab_v[pl.ds(16, 16)]

    def _lane_gather(t, i):
        return t.at[i].get(mode="promise_in_bounds")

    def body(j, carry):
        idx16 = idx_v[pl.ds(j * 16, 16)]
        lo = _lane_gather(tab_lo, jnp.minimum(idx16, 15))
        hi = _lane_gather(tab_hi, jnp.maximum(idx16 - 16, 0))
        val_v[pl.ds(j * 16, 16)] = jnp.where(idx16 < 16, lo, hi)
        return carry

    lax.fori_loop(0, _CHUNK // 16, body, 0)
    pltpu.sync_copy(val_v, out_hbm.at[pl.ds(base, _CHUNK)])


def _add_bias_kernel(x_ref, vec_ref, o_ref, w_ref, bias_ref):
    r = pl.program_id(0)
    h = pl.program_id(1)

    @pl.when((h == 0) & (r == 0))
    def _():
        v = vec_ref[...]
        w_ref[0:1, :] = v
        for si in range(1, 8):
            w_ref[si:si + 1, :] = jnp.roll(v, si, axis=1)

    @pl.when(h == 0)
    def _():
        for g in range(_BR // 8):
            c = _WC - 8 * g
            rem = c % 128
            ba = (c - rem) - r * _BR
            chunk = w_ref[:, pl.ds(pl.multiple_of(ba, 128), _S + 128)]
            bias_ref[8 * g:8 * g + 8, :] = chunk[:, rem:rem + _S]

    o_ref[...] = x_ref[...] + bias_ref[...]


def _run(x, vec):
    bh, s, _ = x.shape
    grid = (s // _BR, bh)
    return pl.pallas_call(
        _add_bias_kernel,
        grid=grid,
        in_specs=[
            pl.BlockSpec((1, _BR, s), lambda r, hh: (hh, r, 0)),
            pl.BlockSpec((1, _VL), lambda r, hh: (0, 0)),
        ],
        out_specs=pl.BlockSpec((1, _BR, s), lambda r, hh: (hh, r, 0)),
        out_shape=jax.ShapeDtypeStruct((bh, s, s), jnp.float32),
        scratch_shapes=[
            pltpu.VMEM((8, _VL), jnp.float32),
            pltpu.VMEM((_BR, s), jnp.float32),
        ],
        compiler_params=pltpu.CompilerParams(
            dimension_semantics=("parallel", "arbitrary")
        ),
    )(x, vec)


def kernel(attention_scores, bias_table):
    b, h, s, _ = attention_scores.shape
    x = attention_scores.reshape(b * h, s, s)
    bucket = _bucket_diag().reshape(_VL)
    vec = _sc_lookup(bias_table.reshape(_NB), bucket)
    out = _run(x, vec.reshape(1, _VL))
    return out.reshape(b, h, s, s)

# --- scband reference (transcript-rebuilt; emitter-appended) ---
"""Pipeline reference for scband-t5-positional-encoding-23527830848040 (READ-ONLY COPY).

The authoritative reference and input builder live on the scoring server;
editing this copy changes nothing except your own understanding.
"""

import jax, jax.numpy as jnp
import numpy as np
import math

NUM_BUCKETS = 32
MAX_DISTANCE = 128


def _relative_position_bucket(relative_position):
    nb = NUM_BUCKETS
    md = MAX_DISTANCE
    # element-wise interpretation of the torch module's bucket logic
    relative_buckets = jnp.where(relative_position > 0, nb // 2, 0)
    rp_abs = jnp.abs(relative_position)
    is_small = rp_abs < md
    rp_if_large = md + jnp.log(rp_abs.astype(jnp.float32) / md) / math.log(md / nb) * (nb - md)
    rp_if_large = jnp.minimum(rp_if_large, md - 1)
    relative_buckets_if_large = relative_buckets.astype(jnp.float32) + rp_if_large
    out = jnp.where(is_small, (rp_abs + relative_buckets).astype(jnp.float32), relative_buckets_if_large)
    # clamp into valid embedding range so the gather is well-defined
    out = jnp.clip(out, 0, nb - 1).astype(jnp.int32)
    return out


def setup_inputs(seed: int = 0) -> dict:
    key = jax.random.key(seed)
    k1, k2 = jax.random.split(key)
    attention_scores = jax.random.normal(k1, (1, 16, 2048, 2048), dtype=jnp.float32)
    # nn.Embedding(num_buckets, 1) weight
    bias_table = jax.random.normal(k2, (NUM_BUCKETS, 1), dtype=jnp.float32)
    return {"attention_scores": attention_scores, "bias_table": bias_table}


def reference(attention_scores, bias_table):
    b, h, s, _ = attention_scores.shape
    context_position = jnp.arange(s)
    memory_position = jnp.arange(s)
    relative_position = memory_position[None, :] - context_position[:, None]
    bucket = _relative_position_bucket(relative_position)
    bias = jnp.take(bias_table, bucket, axis=0).squeeze(-1)  # [s, s]
    return attention_scores + bias[None, None, :, :]

if __name__ == "__main__":
    import jax
    _d = setup_inputs()
    print(jax.jit(kernel)(*tuple(_d.values())))

</pallas_src>

<mosaic_0001>
#map = affine_map<(d0, d1) -> (0)>
module attributes {stable_mosaic.version = 14 : i64} {
  func.func @_sc_lookup(%arg0: i32, %arg1: i32, %arg2: memref<32xf32, #tpu.memory_space<hbm>>, %arg3: memref<4608xi32, #tpu.memory_space<hbm>>, %arg4: memref<4608xf32, #tpu.memory_space<hbm>>, %arg5: memref<32xf32, #tpu.memory_space<vmem>>, %arg6: memref<144xi32, #tpu.memory_space<vmem>>, %arg7: memref<144xf32, #tpu.memory_space<vmem>>) attributes {dimension_semantics = [#tpu.dimension_semantics<core_parallel>, #tpu.dimension_semantics<subcore_parallel>], iteration_bounds = array<i64: 2, 16>, scalar_prefetch = 0 : i64, scratch_operands = 3 : i64, tpu.core_type = #tpu.core_type<sc_vector_subcore>, window_params = [{transform_indices = #map}, {transform_indices = #map}, {transform_indices = #map}]} {
    %mul3A = arith.constant 2 : i32
    %mul3A_0 = arith.muli %arg1, %mul3A : i32
    %add3A = arith.addi %mul3A_0, %arg0 : i32
    %mul3A_1 = arith.constant 144 : i32
    %mul3A_2 = arith.muli %add3A, %mul3A_1 : i32
    "tpu.region"() ({
      %run_scoped3A = tpu.sem_alloc : memref<!tpu.dma_semaphore, #tpu.memory_space<semaphore_mem>>
      tpu.enqueue_dma source(%arg2 : memref<32xf32, #tpu.memory_space<hbm>>) target(%arg5 : memref<32xf32, #tpu.memory_space<vmem>>) target_semaphore(%run_scoped3A : memref<!tpu.dma_semaphore, #tpu.memory_space<semaphore_mem>>)
      tpu.wait_dma2 semaphore(%run_scoped3A : memref<!tpu.dma_semaphore, #tpu.memory_space<semaphore_mem>>) src(%arg2 : memref<32xf32, #tpu.memory_space<hbm>>) dst(%arg5 : memref<32xf32, #tpu.memory_space<vmem>>)
      tpu.yield
    }) : () -> ()
    "tpu.region"() ({
      %run_scoped3A = tpu.sem_alloc : memref<!tpu.dma_semaphore, #tpu.memory_space<semaphore_mem>>
      %dma_start3A = tpu.memref_slice %arg3[%mul3A_2] : memref<4608xi32, #tpu.memory_space<hbm>> -> memref<144xi32, #tpu.memory_space<hbm>>
      %dma_start3A_13 = tpu.memref_slice %arg3[%mul3A_2] : memref<4608xi32, #tpu.memory_space<hbm>> -> memref<144xi32, #tpu.memory_space<hbm>>
      tpu.enqueue_dma source(%dma_start3A_13 : memref<144xi32, #tpu.memory_space<hbm>>) target(%arg6 : memref<144xi32, #tpu.memory_space<vmem>>) target_semaphore(%run_scoped3A : memref<!tpu.dma_semaphore, #tpu.memory_space<semaphore_mem>>)
      %dma_wait3A = tpu.memref_slice %arg3[%mul3A_2] : memref<4608xi32, #tpu.memory_space<hbm>> -> memref<144xi32, #tpu.memory_space<hbm>>
      %dma_wait3A_14 = tpu.memref_slice %arg3[%mul3A_2] : memref<4608xi32, #tpu.memory_space<hbm>> -> memref<144xi32, #tpu.memory_space<hbm>>
      tpu.wait_dma2 semaphore(%run_scoped3A : memref<!tpu.dma_semaphore, #tpu.memory_space<semaphore_mem>>) src(%dma_wait3A_14 : memref<144xi32, #tpu.memory_space<hbm>>) dst(%arg6 : memref<144xi32, #tpu.memory_space<vmem>>)
      tpu.yield
    }) : () -> ()
    %get3A = arith.constant 0 : index
    %get3A_3 = tpu.vector_load %arg5[%get3A] {strides = array<i32>} : memref<32xf32, #tpu.memory_space<vmem>>, vector<16xf32>,
    %get3A_4 = vector.shape_cast %get3A_3 : vector<16xf32> to vector<16xf32>
    %get3A_5 = arith.constant 16 : index
    %get3A_6 = tpu.vector_load %arg5[%get3A_5] {strides = array<i32>} : memref<32xf32, #tpu.memory_space<vmem>>, vector<16xf32>,
    %get3A_7 = vector.shape_cast %get3A_6 : vector<16xf32> to vector<16xf32>
    %scan3A = arith.constant 0 : i32
    %scan3A_8 = arith.constant 0 : i32
    %scan3A_9 = arith.constant 9 : i32
    %scan3A_10 = arith.addi %scan3A_8, %scan3A_9 : i32
    %scan3A_11 = arith.constant 1 : i32
    scf.for %scan3A_13 = %scan3A_8 to %scan3A_10 step %scan3A_11  : i32 {
      %mul3A_14 = arith.constant 16 : i32
      %mul3A_15 = arith.muli %scan3A_13, %mul3A_14 : i32
      %get3A_16 = arith.index_cast %mul3A_15 : i32 to index
      %get3A_17 = tpu.vector_load %arg6[%get3A_16] {strides = array<i32>} : memref<144xi32, #tpu.memory_space<vmem>>, vector<16xi32>,
      %get3A_18 = vector.shape_cast %get3A_17 : vector<16xi32> to vector<16xi32>
      %min3A = arith.constant 15 : i32
      %min3A_19 = vector.broadcast %min3A : i32 to vector<16xi32>
      %min3A_20 = arith.minsi %get3A_18, %min3A_19 : vector<16xi32>
      %lt3A = arith.constant 0 : i32
      %lt3A_21 = vector.broadcast %lt3A : i32 to vector<16xi32>
      %lt3A_22 = arith.cmpi slt, %min3A_20, %lt3A_21 : vector<16xi32>
      %add3A_23 = arith.constant 16 : i32
      %add3A_24 = vector.broadcast %add3A_23 : i32 to vector<16xi32>
      %add3A_25 = arith.addi %min3A_20, %add3A_24 : vector<16xi32>
      %select_n3A = arith.select %lt3A_22, %add3A_25, %min3A_20 : vector<16xi1>, vector<16xi32>
      %broadcast_in_dim3A = vector.shape_cast %select_n3A : vector<16xi32> to vector<16x1xi32>
      %gather3A = vector.shape_cast %broadcast_in_dim3A : vector<16x1xi32> to vector<16xi32>
      %gather3A_26 = tpu.dynamic_gather %get3A_4[%gather3A] in [0] : vector<16xf32>, vector<16xi32> -> vector<16xf32>
      %sub3A = arith.constant 16 : i32
      %sub3A_27 = vector.broadcast %sub3A : i32 to vector<16xi32>
      %sub3A_28 = arith.subi %get3A_18, %sub3A_27 : vector<16xi32>
      %max3A = arith.constant 0 : i32
      %max3A_29 = vector.broadcast %max3A : i32 to vector<16xi32>
      %max3A_30 = arith.maxsi %sub3A_28, %max3A_29 : vector<16xi32>
      %lt3A_31 = arith.constant 0 : i32
      %lt3A_32 = vector.broadcast %lt3A_31 : i32 to vector<16xi32>
      %lt3A_33 = arith.cmpi slt, %max3A_30, %lt3A_32 : vector<16xi32>
      %add3A_34 = arith.constant 16 : i32
      %add3A_35 = vector.broadcast %add3A_34 : i32 to vector<16xi32>
      %add3A_36 = arith.addi %max3A_30, %add3A_35 : vector<16xi32>
      %select_n3A_37 = arith.select %lt3A_33, %add3A_36, %max3A_30 : vector<16xi1>, vector<16xi32>
      %broadcast_in_dim3A_38 = vector.shape_cast %select_n3A_37 : vector<16xi32> to vector<16x1xi32>
      %gather3A_39 = vector.shape_cast %broadcast_in_dim3A_38 : vector<16x1xi32> to vector<16xi32>
      %gather3A_40 = tpu.dynamic_gather %get3A_7[%gather3A_39] in [0] : vector<16xf32>, vector<16xi32> -> vector<16xf32>
      %lt3A_41 = arith.constant 16 : i32
      %lt3A_42 = vector.broadcast %lt3A_41 : i32 to vector<16xi32>
      %lt3A_43 = arith.cmpi slt, %get3A_18, %lt3A_42 : vector<16xi32>
      %select_n3A_44 = arith.select %lt3A_43, %gather3A_26, %gather3A_40 : vector<16xi1>, vector<16xf32>
      %mul3A_45 = arith.constant 16 : i32
      %mul3A_46 = arith.muli %scan3A_13, %mul3A_45 : i32
      %swap3A = arith.index_cast %mul3A_46 : i32 to index
      %swap3A_47 = tpu.vector_load %arg7[%swap3A] {strides = array<i32>} : memref<144xf32, #tpu.memory_space<vmem>>, vector<16xf32>,
      %swap3A_48 = vector.shape_cast %swap3A_47 : vector<16xf32> to vector<16xf32>
      %swap3A_49 = vector.shape_cast %select_n3A_44 : vector<16xf32> to vector<16xf32>
      tpu.vector_store %arg7[%swap3A], %swap3A_49 {strides = array<i32>} : memref<144xf32, #tpu.memory_space<vmem>>, vector<16xf32>,
    }
    %scan3A_12 = arith.constant 9 : i32
    "tpu.region"() ({
      %run_scoped3A = tpu.sem_alloc : memref<!tpu.dma_semaphore, #tpu.memory_space<semaphore_mem>>
      %dma_start3A = tpu.memref_slice %arg4[%mul3A_2] : memref<4608xf32, #tpu.memory_space<hbm>> -> memref<144xf32, #tpu.memory_space<hbm>>
      %dma_start3A_13 = tpu.memref_slice %arg4[%mul3A_2] : memref<4608xf32, #tpu.memory_space<hbm>> -> memref<144xf32, #tpu.memory_space<hbm>>
      tpu.enqueue_dma source(%arg7 : memref<144xf32, #tpu.memory_space<vmem>>) target(%dma_start3A_13 : memref<144xf32, #tpu.memory_space<hbm>>) target_semaphore(%run_scoped3A : memref<!tpu.dma_semaphore, #tpu.memory_space<semaphore_mem>>)
      %dma_wait3A = tpu.memref_slice %arg4[%mul3A_2] : memref<4608xf32, #tpu.memory_space<hbm>> -> memref<144xf32, #tpu.memory_space<hbm>>
      %dma_wait3A_14 = tpu.memref_slice %arg4[%mul3A_2] : memref<4608xf32, #tpu.memory_space<hbm>> -> memref<144xf32, #tpu.memory_space<hbm>>
      tpu.wait_dma2 semaphore(%run_scoped3A : memref<!tpu.dma_semaphore, #tpu.memory_space<semaphore_mem>>) src(%arg7 : memref<144xf32, #tpu.memory_space<vmem>>) dst(%dma_wait3A_14 : memref<144xf32, #tpu.memory_space<hbm>>)
      tpu.yield
    }) : () -> ()
    return
  }
}

module attributes {stable_mosaic.version = 14 : i64} {
  func.func @_bucket_kernel(%arg0: memref<1x4608xi32, #tpu.memory_space<vmem>>) attributes {dimension_semantics = [], scalar_prefetch = 0 : i64, scratch_operands = 0 : i64, tpu.core_type = #tpu.core_type<tc>} {
    %iota3A = tpu.iota {dimensions = array<i32: 1>} : vector<1x4608xi32>
    %sub3A = arith.constant 2047 : i32
    %sub3A_0 = vector.broadcast %sub3A : i32 to vector<1x4608xi32>
    %sub3A_1 = arith.subi %iota3A, %sub3A_0 : vector<1x4608xi32>
    %gt3A = arith.constant 0 : i32
    %gt3A_2 = vector.broadcast %gt3A : i32 to vector<1x4608xi32>
    %gt3A_3 = arith.cmpi sgt, %sub3A_1, %gt3A_2 : vector<1x4608xi32>
    %jit3A = arith.constant 16 : i32
    %jit3A_4 = arith.constant 0 : i32
    %broadcast_in_dim3A = vector.broadcast %jit3A : i32 to vector<1x4608xi32>
    %broadcast_in_dim3A_5 = vector.broadcast %jit3A_4 : i32 to vector<1x4608xi32>
    %select_n3A = arith.select %gt3A_3, %broadcast_in_dim3A, %broadcast_in_dim3A_5 : vector<1x4608xi1>, vector<1x4608xi32>
    %abs3A = math.absi %sub3A_1 : vector<1x4608xi32>
    %convert_element_type3A = arith.sitofp %abs3A : vector<1x4608xi32> to vector<1x4608xf32>
    %div3A = arith.constant 1.280000e+02 : f32
    %div3A_6 = vector.broadcast %div3A : f32 to vector<1x4608xf32>
    %div3A_7 = arith.divf %convert_element_type3A, %div3A_6 : vector<1x4608xf32>
    %log3A = math.log %div3A_7 : vector<1x4608xf32>
    %div3A_8 = arith.constant 1.38629436 : f32
    %div3A_9 = vector.broadcast %div3A_8 : f32 to vector<1x4608xf32>
    %div3A_10 = arith.divf %log3A, %div3A_9 : vector<1x4608xf32>
    %mul3A = arith.constant -9.600000e+01 : f32
    %mul3A_11 = vector.broadcast %mul3A : f32 to vector<1x4608xf32>
    %mul3A_12 = arith.mulf %div3A_10, %mul3A_11 : vector<1x4608xf32>
    %add3A = arith.constant 1.280000e+02 : f32
    %add3A_13 = vector.broadcast %add3A : f32 to vector<1x4608xf32>
    %add3A_14 = arith.addf %add3A_13, %mul3A_12 : vector<1x4608xf32>
    %min3A = arith.constant 1.270000e+02 : f32
    %min3A_15 = vector.broadcast %min3A : f32 to vector<1x4608xf32>
    %min3A_16 = arith.minimumf %add3A_14, %min3A_15 : vector<1x4608xf32>
    %convert_element_type3A_17 = arith.sitofp %select_n3A : vector<1x4608xi32> to vector<1x4608xf32>
    %add3A_18 = arith.addf %convert_element_type3A_17, %min3A_16 : vector<1x4608xf32>
    %add3A_19 = arith.addi %abs3A, %select_n3A : vector<1x4608xi32>
    %convert_element_type3A_20 = arith.sitofp %add3A_19 : vector<1x4608xi32> to vector<1x4608xf32>
    %lt3A = arith.constant 128 : i32
    %lt3A_21 = vector.broadcast %lt3A : i32 to vector<1x4608xi32>
    %lt3A_22 = arith.cmpi slt, %abs3A, %lt3A_21 : vector<1x4608xi32>
    %select_n3A_23 = arith.select %lt3A_22, %convert_element_type3A_20, %add3A_18 : vector<1x4608xi1>, vector<1x4608xf32>
    %jit3A_24 = arith.constant 0 : i32
    %jit3A_25 = arith.constant 31 : i32
    %convert_element_type3A_26 = arith.sitofp %jit3A_24 : i32 to f32
    %max3A = vector.broadcast %convert_element_type3A_26 : f32 to vector<1x4608xf32>
    %max3A_27 = arith.maximumf %max3A, %select_n3A_23 : vector<1x4608xf32>
    %convert_element_type3A_28 = arith.sitofp %jit3A_25 : i32 to f32
    %min3A_29 = vector.broadcast %convert_element_type3A_28 : f32 to vector<1x4608xf32>
    %min3A_30 = arith.minimumf %min3A_29, %max3A_27 : vector<1x4608xf32>
    %convert_element_type3A_31 = arith.fptosi %min3A_30 : vector<1x4608xf32> to vector<1x4608xi32>
    %swap3A = arith.constant 0 : index
    %swap3A_32 = arith.constant 0 : index
    %swap3A_33 = vector.load %arg0[%swap3A, %swap3A_32] : memref<1x4608xi32, #tpu.memory_space<vmem>>, vector<1x4608xi32>
    tpu.vector_store %arg0[%swap3A, %swap3A_32], %convert_element_type3A_31 {strides = array<i32>} : memref<1x4608xi32, #tpu.memory_space<vmem>>, vector<1x4608xi32>,
    return
  }
}

module attributes {stable_mosaic.version = 14 : i64} {
  func.func @_add_bias_kernel(%arg0: i32, %arg1: i32, %arg2: memref<1x512x2048xf32, #tpu.memory_space<vmem>>, %arg3: memref<1x4608xf32, #tpu.memory_space<vmem>>, %arg4: memref<1x512x2048xf32, #tpu.memory_space<vmem>>, %arg5: memref<8x4608xf32, #tpu.memory_space<vmem>>, %arg6: memref<512x2048xf32, #tpu.memory_space<vmem>>) attributes {dimension_semantics = [#tpu.dimension_semantics<parallel>, #tpu.dimension_semantics<arbitrary>], iteration_bounds = array<i64: 4, 16>, scalar_prefetch = 0 : i64, scratch_operands = 2 : i64, tpu.core_type = #tpu.core_type<tc>, window_params = [{transform_indices = @transform_0, window_bounds = array<i64: 1, 512, 2048>}, {pipeline_mode = #tpu.pipeline_mode<synchronous>, transform_indices = @transform_1, window_bounds = array<i64: 1, 4608>}, {transform_indices = @transform_2, window_bounds = array<i64: 1, 512, 2048>}]} {
    %eq3A = arith.constant 0 : i32
    %eq3A_0 = arith.cmpi eq, %arg1, %eq3A : i32
    %eq3A_1 = arith.constant 0 : i32
    %eq3A_2 = arith.cmpi eq, %arg0, %eq3A_1 : i32
    %and3A = arith.andi %eq3A_0, %eq3A_2 : i1
    %convert_element_type3A = arith.extui %and3A : i1 to i32
    %cond3A = arith.constant 0 : i32
    %cond3A_3 = arith.cmpi ne, %convert_element_type3A, %cond3A : i32
    scf.if %cond3A_3 {
      %get3A_18 = arith.constant 0 : index
      %get3A_19 = arith.constant 0 : index
      %get3A_20 = vector.load %arg3[%get3A_18, %get3A_19] : memref<1x4608xf32, #tpu.memory_space<vmem>>, vector<1x4608xf32>
      %swap3A_21 = arith.constant 0 : index
      %swap3A_22 = arith.constant 0 : index
      %swap3A_23 = vector.load %arg5[%swap3A_21, %swap3A_22] : memref<8x4608xf32, #tpu.memory_space<vmem>>, vector<1x4608xf32>
      tpu.vector_store %arg5[%swap3A_21, %swap3A_22], %get3A_20 {strides = array<i32>} : memref<8x4608xf32, #tpu.memory_space<vmem>>, vector<1x4608xf32>,
      %slice3A = vector.extract_strided_slice %get3A_20 {offsets = [0, 4607], sizes = [1, 1], strides = [1, 1]} : vector<1x4608xf32> to vector<1x1xf32>
      %slice3A_24 = vector.extract_strided_slice %get3A_20 {offsets = [0, 0], sizes = [1, 4607], strides = [1, 1]} : vector<1x4608xf32> to vector<1x4607xf32>
      %concatenate3A = tpu.concatenate %slice3A, %slice3A_24 in 1 : vector<1x1xf32>, vector<1x4607xf32> -> vector<1x4608xf32>
      %swap3A_25 = arith.constant 1 : index
      %swap3A_26 = arith.constant 0 : index
      %swap3A_27 = vector.load %arg5[%swap3A_25, %swap3A_26] : memref<8x4608xf32, #tpu.memory_space<vmem>>, vector<1x4608xf32>
      tpu.vector_store %arg5[%swap3A_25, %swap3A_26], %concatenate3A {strides = array<i32>} : memref<8x4608xf32, #tpu.memory_space<vmem>>, vector<1x4608xf32>,
      %slice3A_28 = vector.extract_strided_slice %get3A_20 {offsets = [0, 4606], sizes = [1, 2], strides = [1, 1]} : vector<1x4608xf32> to vector<1x2xf32>
      %slice3A_29 = vector.extract_strided_slice %get3A_20 {offsets = [0, 0], sizes = [1, 4606], strides = [1, 1]} : vector<1x4608xf32> to vector<1x4606xf32>
      %concatenate3A_30 = tpu.concatenate %slice3A_28, %slice3A_29 in 1 : vector<1x2xf32>, vector<1x4606xf32> -> vector<1x4608xf32>
      %swap3A_31 = arith.constant 2 : index
      %swap3A_32 = arith.constant 0 : index
      %swap3A_33 = vector.load %arg5[%swap3A_31, %swap3A_32] : memref<8x4608xf32, #tpu.memory_space<vmem>>, vector<1x4608xf32>
      tpu.vector_store %arg5[%swap3A_31, %swap3A_32], %concatenate3A_30 {strides = array<i32>} : memref<8x4608xf32, #tpu.memory_space<vmem>>, vector<1x4608xf32>,
      %slice3A_34 = vector.extract_strided_slice %get3A_20 {offsets = [0, 4605], sizes = [1, 3], strides = [1, 1]} : vector<1x4608xf32> to vector<1x3xf32>
      %slice3A_35 = vector.extract_strided_slice %get3A_20 {offsets = [0, 0], sizes = [1, 4605], strides = [1, 1]} : vector<1x4608xf32> to vector<1x4605xf32>
      %concatenate3A_36 = tpu.concatenate %slice3A_34, %slice3A_35 in 1 : vector<1x3xf32>, vector<1x4605xf32> -> vector<1x4608xf32>
      %swap3A_37 = arith.constant 3 : index
      %swap3A_38 = arith.constant 0 : index
      %swap3A_39 = vector.load %arg5[%swap3A_37, %swap3A_38] : memref<8x4608xf32, #tpu.memory_space<vmem>>, vector<1x4608xf32>
      tpu.vector_store %arg5[%swap3A_37, %swap3A_38], %concatenate3A_36 {strides = array<i32>} : memref<8x4608xf32, #tpu.memory_space<vmem>>, vector<1x4608xf32>,
      %slice3A_40 = vector.extract_strided_slice %get3A_20 {offsets = [0, 4604], sizes = [1, 4], strides = [1, 1]} : vector<1x4608xf32> to vector<1x4xf32>
      %slice3A_41 = vector.extract_strided_slice %get3A_20 {offsets = [0, 0], sizes = [1, 4604], strides = [1, 1]} : vector<1x4608xf32> to vector<1x4604xf32>
      %concatenate3A_42 = tpu.concatenate %slice3A_40, %slice3A_41 in 1 : vector<1x4xf32>, vector<1x4604xf32> -> vector<1x4608xf32>
      %swap3A_43 = arith.constant 4 : index
      %swap3A_44 = arith.constant 0 : index
      %swap3A_45 = vector.load %arg5[%swap3A_43, %swap3A_44] : memref<8x4608xf32, #tpu.memory_space<vmem>>, vector<1x4608xf32>
      tpu.vector_store %arg5[%swap3A_43, %swap3A_44], %concatenate3A_42 {strides = array<i32>} : memref<8x4608xf32, #tpu.memory_space<vmem>>, vector<1x4608xf32>,
      %slice3A_46 = vector.extract_strided_slice %get3A_20 {offsets = [0, 4603], sizes = [1, 5], strides = [1, 1]} : vector<1x4608xf32> to vector<1x5xf32>
      %slice3A_47 = vector.extract_strided_slice %get3A_20 {offsets = [0, 0], sizes = [1, 4603], strides = [1, 1]} : vector<1x4608xf32> to vector<1x4603xf32>
      %concatenate3A_48 = tpu.concatenate %slice3A_46, %slice3A_47 in 1 : vector<1x5xf32>, vector<1x4603xf32> -> vector<1x4608xf32>
      %swap3A_49 = arith.constant 5 : index
      %swap3A_50 = arith.constant 0 : index
      %swap3A_51 = vector.load %arg5[%swap3A_49, %swap3A_50] : memref<8x4608xf32, #tpu.memory_space<vmem>>, vector<1x4608xf32>
      tpu.vector_store %arg5[%swap3A_49, %swap3A_50], %concatenate3A_48 {strides = array<i32>} : memref<8x4608xf32, #tpu.memory_space<vmem>>, vector<1x4608xf32>,
      %slice3A_52 = vector.extract_strided_slice %get3A_20 {offsets = [0, 4602], sizes = [1, 6], strides = [1, 1]} : vector<1x4608xf32> to vector<1x6xf32>
      %slice3A_53 = vector.extract_strided_slice %get3A_20 {offsets = [0, 0], sizes = [1, 4602], strides = [1, 1]} : vector<1x4608xf32> to vector<1x4602xf32>
      %concatenate3A_54 = tpu.concatenate %slice3A_52, %slice3A_53 in 1 : vector<1x6xf32>, vector<1x4602xf32> -> vector<1x4608xf32>
      %swap3A_55 = arith.constant 6 : index
      %swap3A_56 = arith.constant 0 : index
      %swap3A_57 = vector.load %arg5[%swap3A_55, %swap3A_56] : memref<8x4608xf32, #tpu.memory_space<vmem>>, vector<1x4608xf32>
      tpu.vector_store %arg5[%swap3A_55, %swap3A_56], %concatenate3A_54 {strides = array<i32>} : memref<8x4608xf32, #tpu.memory_space<vmem>>, vector<1x4608xf32>,
      %slice3A_58 = vector.extract_strided_slice %get3A_20 {offsets = [0, 4601], sizes = [1, 7], strides = [1, 1]} : vector<1x4608xf32> to vector<1x7xf32>
      %slice3A_59 = vector.extract_strided_slice %get3A_20 {offsets = [0, 0], sizes = [1, 4601], strides = [1, 1]} : vector<1x4608xf32> to vector<1x4601xf32>
      %concatenate3A_60 = tpu.concatenate %slice3A_58, %slice3A_59 in 1 : vector<1x7xf32>, vector<1x4601xf32> -> vector<1x4608xf32>
      %swap3A_61 = arith.constant 7 : index
      %swap3A_62 = arith.constant 0 : index
      %swap3A_63 = vector.load %arg5[%swap3A_61, %swap3A_62] : memref<8x4608xf32, #tpu.memory_space<vmem>>, vector<1x4608xf32>
      tpu.vector_store %arg5[%swap3A_61, %swap3A_62], %concatenate3A_60 {strides = array<i32>} : memref<8x4608xf32, #tpu.memory_space<vmem>>, vector<1x4608xf32>,
    } else {
    }
    %eq3A_4 = arith.constant 0 : i32
    %eq3A_5 = arith.cmpi eq, %arg1, %eq3A_4 : i32
    %convert_element_type3A_6 = arith.extui %eq3A_5 : i1 to i32
    %cond3A_7 = arith.constant 0 : i32
    %cond3A_8 = arith.cmpi ne, %convert_element_type3A_6, %cond3A_7 : i32
    scf.if %cond3A_8 {
      %mul3A = arith.constant 512 : i32
      %mul3A_18 = arith.muli %arg0, %mul3A : i32
      %sub3A = arith.constant 1920 : i32
      %sub3A_19 = arith.subi %sub3A, %mul3A_18 : i32
      %multiple_of3A = tpu.assume_multiple %sub3A_19, 128 : i32
      %get3A_20 = arith.constant 0 : index
      %get3A_21 = arith.index_cast %multiple_of3A : i32 to index
      %get3A_22 = vector.load %arg5[%get3A_20, %get3A_21] : memref<8x4608xf32, #tpu.memory_space<vmem>>, vector<8x2176xf32>
      %slice3A = vector.extract_strided_slice %get3A_22 {offsets = [0, 127], sizes = [8, 2048], strides = [1, 1]} : vector<8x2176xf32> to vector<8x2048xf32>
      %swap3A_23 = arith.constant 0 : index
      %swap3A_24 = arith.constant 0 : index
      %swap3A_25 = vector.load %arg6[%swap3A_23, %swap3A_24] : memref<512x2048xf32, #tpu.memory_space<vmem>>, vector<8x2048xf32>
      tpu.vector_store %arg6[%swap3A_23, %swap3A_24], %slice3A {strides = array<i32>} : memref<512x2048xf32, #tpu.memory_space<vmem>>, vector<8x2048xf32>,
      %mul3A_26 = arith.constant 512 : i32
      %mul3A_27 = arith.muli %arg0, %mul3A_26 : i32
      %sub3A_28 = arith.constant 1920 : i32
      %sub3A_29 = arith.subi %sub3A_28, %mul3A_27 : i32
      %multiple_of3A_30 = tpu.assume_multiple %sub3A_29, 128 : i32
      %get3A_31 = arith.constant 0 : index
      %get3A_32 = arith.index_cast %multiple_of3A_30 : i32 to index
      %get3A_33 = vector.load %arg5[%get3A_31, %get3A_32] : memref<8x4608xf32, #tpu.memory_space<vmem>>, vector<8x2176xf32>
      %slice3A_34 = vector.extract_strided_slice %get3A_33 {offsets = [0, 119], sizes = [8, 2048], strides = [1, 1]} : vector<8x2176xf32> to vector<8x2048xf32>
      %swap3A_35 = arith.constant 8 : index
      %swap3A_36 = arith.constant 0 : index
      %swap3A_37 = vector.load %arg6[%swap3A_35, %swap3A_36] : memref<512x2048xf32, #tpu.memory_space<vmem>>, vector<8x2048xf32>
      tpu.vector_store %arg6[%swap3A_35, %swap3A_36], %slice3A_34 {strides = array<i32>} : memref<512x2048xf32, #tpu.memory_space<vmem>>, vector<8x2048xf32>,
      %mul3A_38 = arith.constant 512 : i32
      %mul3A_39 = arith.muli %arg0, %mul3A_38 : i32
      %sub3A_40 = arith.constant 1920 : i32
      %sub3A_41 = arith.subi %sub3A_40, %mul3A_39 : i32
      %multiple_of3A_42 = tpu.assume_multiple %sub3A_41, 128 : i32
      %get3A_43 = arith.constant 0 : index
      %get3A_44 = arith.index_cast %multiple_of3A_42 : i32 to index
      %get3A_45 = vector.load %arg5[%get3A_43, %get3A_44] : memref<8x4608xf32, #tpu.memory_space<vmem>>, vector<8x2176xf32>
      %slice3A_46 = vector.extract_strided_slice %get3A_45 {offsets = [0, 111], sizes = [8, 2048], strides = [1, 1]} : vector<8x2176xf32> to vector<8x2048xf32>
      %swap3A_47 = arith.constant 16 : index
      %swap3A_48 = arith.constant 0 : index
      %swap3A_49 = vector.load %arg6[%swap3A_47, %swap3A_48] : memref<512x2048xf32, #tpu.memory_space<vmem>>, vector<8x2048xf32>
      tpu.vector_store %arg6[%swap3A_47, %swap3A_48], %slice3A_46 {strides = array<i32>} : memref<512x2048xf32, #tpu.memory_space<vmem>>, vector<8x2048xf32>,
      %mul3A_50 = arith.constant 512 : i32
      %mul3A_51 = arith.muli %arg0, %mul3A_50 : i32
      %sub3A_52 = arith.constant 1920 : i32
      %sub3A_53 = arith.subi %sub3A_52, %mul3A_51 : i32
      %multiple_of3A_54 = tpu.assume_multiple %sub3A_53, 128 : i32
      %get3A_55 = arith.constant 0 : index
      %get3A_56 = arith.index_cast %multiple_of3A_54 : i32 to index
      %get3A_57 = vector.load %arg5[%get3A_55, %get3A_56] : memref<8x4608xf32, #tpu.memory_space<vmem>>, vector<8x2176xf32>
      %slice3A_58 = vector.extract_strided_slice %get3A_57 {offsets = [0, 103], sizes = [8, 2048], strides = [1, 1]} : vector<8x2176xf32> to vector<8x2048xf32>
      %swap3A_59 = arith.constant 24 : index
      %swap3A_60 = arith.constant 0 : index
      %swap3A_61 = vector.load %arg6[%swap3A_59, %swap3A_60] : memref<512x2048xf32, #tpu.memory_space<vmem>>, vector<8x2048xf32>
      tpu.vector_store %arg6[%swap3A_59, %swap3A_60], %slice3A_58 {strides = array<i32>} : memref<512x2048xf32, #tpu.memory_space<vmem>>, vector<8x2048xf32>,
      %mul3A_62 = arith.constant 512 : i32
      %mul3A_63 = arith.muli %arg0, %mul3A_62 : i32
      %sub3A_64 = arith.constant 1920 : i32
      %sub3A_65 = arith.subi %sub3A_64, %mul3A_63 : i32
      %multiple_of3A_66 = tpu.assume_multiple %sub3A_65, 128 : i32
      %get3A_67 = arith.constant 0 : index
      %get3A_68 = arith.index_cast %multiple_of3A_66 : i32 to index
      %get3A_69 = vector.load %arg5[%get3A_67, %get3A_68] : memref<8x4608xf32, #tpu.memory_space<vmem>>, vector<8x2176xf32>
      %slice3A_70 = vector.extract_strided_slice %get3A_69 {offsets = [0, 95], sizes = [8, 2048], strides = [1, 1]} : vector<8x2176xf32> to vector<8x2048xf32>
      %swap3A_71 = arith.constant 32 : index
      %swap3A_72 = arith.constant 0 : index
      %swap3A_73 = vector.load %arg6[%swap3A_71, %swap3A_72] : memref<512x2048xf32, #tpu.memory_space<vmem>>, vector<8x2048xf32>
      tpu.vector_store %arg6[%swap3A_71, %swap3A_72], %slice3A_70 {strides = array<i32>} : memref<512x2048xf32, #tpu.memory_space<vmem>>, vector<8x2048xf32>,
      %mul3A_74 = arith.constant 512 : i32
      %mul3A_75 = arith.muli %arg0, %mul3A_74 : i32
      %sub3A_76 = arith.constant 1920 : i32
      %sub3A_77 = arith.subi %sub3A_76, %mul3A_75 : i32
      %multiple_of3A_78 = tpu.assume_multiple %sub3A_77, 128 : i32
      %get3A_79 = arith.constant 0 : index
      %get3A_80 = arith.index_cast %multiple_of3A_78 : i32 to index
      %get3A_81 = vector.load %arg5[%get3A_79, %get3A_80] : memref<8x4608xf32, #tpu.memory_space<vmem>>, vector<8x2176xf32>
      %slice3A_82 = vector.extract_strided_slice %get3A_81 {offsets = [0, 87], sizes = [8, 2048], strides = [1, 1]} : vector<8x2176xf32> to vector<8x2048xf32>
      %swap3A_83 = arith.constant 40 : index
      %swap3A_84 = arith.constant 0 : index
      %swap3A_85 = vector.load %arg6[%swap3A_83, %swap3A_84] : memref<512x2048xf32, #tpu.memory_space<vmem>>, vector<8x2048xf32>
      tpu.vector_store %arg6[%swap3A_83, %swap3A_84], %slice3A_82 {strides = array<i32>} : memref<512x2048xf32, #tpu.memory_space<vmem>>, vector<8x2048xf32>,
      %mul3A_86 = arith.constant 512 : i32
      %mul3A_87 = arith.muli %arg0, %mul3A_86 : i32
      %sub3A_88 = arith.constant 1920 : i32
      %sub3A_89 = arith.subi %sub3A_88, %mul3A_87 : i32
      %multiple_of3A_90 = tpu.assume_multiple %sub3A_89, 128 : i32
      %get3A_91 = arith.constant 0 : index
      %get3A_92 = arith.index_cast %multiple_of3A_90 : i32 to index
      %get3A_93 = vector.load %arg5[%get3A_91, %get3A_92] : memref<8x4608xf32, #tpu.memory_space<vmem>>, vector<8x2176xf32>
      %slice3A_94 = vector.extract_strided_slice %get3A_93 {offsets = [0, 79], sizes = [8, 2048], strides = [1, 1]} : vector<8x2176xf32> to vector<8x2048xf32>
      %swap3A_95 = arith.constant 48 : index
      %swap3A_96 = arith.constant 0 : index
      %swap3A_97 = vector.load %arg6[%swap3A_95, %swap3A_96] : memref<512x2048xf32, #tpu.memory_space<vmem>>, vector<8x2048xf32>
      tpu.vector_store %arg6[%swap3A_95, %swap3A_96], %slice3A_94 {strides = array<i32>} : memref<512x2048xf32, #tpu.memory_space<vmem>>, vector<8x2048xf32>,
      %mul3A_98 = arith.constant 512 : i32
      %mul3A_99 = arith.muli %arg0, %mul3A_98 : i32
      %sub3A_100 = arith.constant 1920 : i32
      %sub3A_101 = arith.subi %sub3A_100, %mul3A_99 : i32
      %multiple_of3A_102 = tpu.assume_multiple %sub3A_101, 128 : i32
      %get3A_103 = arith.constant 0 : index
      %get3A_104 = arith.index_cast %multiple_of3A_102 : i32 to index
      %get3A_105 = vector.load %arg5[%get3A_103, %get3A_104] : memref<8x4608xf32, #tpu.memory_space<vmem>>, vector<8x2176xf32>
      %slice3A_106 = vector.extract_strided_slice %get3A_105 {offsets = [0, 71], sizes = [8, 2048], strides = [1, 1]} : vector<8x2176xf32> to vector<8x2048xf32>
      %swap3A_107 = arith.constant 56 : index
      %swap3A_108 = arith.constant 0 : index
      %swap3A_109 = vector.load %arg6[%swap3A_107, %swap3A_108] : memref<512x2048xf32, #tpu.memory_space<vmem>>, vector<8x2048xf32>
      tpu.vector_store %arg6[%swap3A_107, %swap3A_108], %slice3A_106 {strides = array<i32>} : memref<512x2048xf32, #tpu.memory_space<vmem>>, vector<8x2048xf32>,
      %mul3A_110 = arith.constant 512 : i32
      %mul3A_111 = arith.muli %arg0, %mul3A_110 : i32
      %sub3A_112 = arith.constant 1920 : i32
      %sub3A_113 = arith.subi %sub3A_112, %mul3A_111 : i32
      %multiple_of3A_114 = tpu.assume_multiple %sub3A_113, 128 : i32
      %get3A_115 = arith.constant 0 : index
      %get3A_116 = arith.index_cast %multiple_of3A_114 : i32 to index
      %get3A_117 = vector.load %arg5[%get3A_115, %get3A_116] : memref<8x4608xf32, #tpu.memory_space<vmem>>, vector<8x2176xf32>
      %slice3A_118 = vector.extract_strided_slice %get3A_117 {offsets = [0, 63], sizes = [8, 2048], strides = [1, 1]} : vector<8x2176xf32> to vector<8x2048xf32>
      %swap3A_119 = arith.constant 64 : index
      %swap3A_120 = arith.constant 0 : index
      %swap3A_121 = vector.load %arg6[%swap3A_119, %swap3A_120] : memref<512x2048xf32, #tpu.memory_space<vmem>>, vector<8x2048xf32>
      tpu.vector_store %arg6[%swap3A_119, %swap3A_120], %slice3A_118 {strides = array<i32>} : memref<512x2048xf32, #tpu.memory_space<vmem>>, vector<8x2048xf32>,
      %mul3A_122 = arith.constant 512 : i32
      %mul3A_123 = arith.muli %arg0, %mul3A_122 : i32
      %sub3A_124 = arith.constant 1920 : i32
      %sub3A_125 = arith.subi %sub3A_124, %mul3A_123 : i32
      %multiple_of3A_126 = tpu.assume_multiple %sub3A_125, 128 : i32
      %get3A_127 = arith.constant 0 : index
      %get3A_128 = arith.index_cast %multiple_of3A_126 : i32 to index
      %get3A_129 = vector.load %arg5[%get3A_127, %get3A_128] : memref<8x4608xf32, #tpu.memory_space<vmem>>, vector<8x2176xf32>
      %slice3A_130 = vector.extract_strided_slice %get3A_129 {offsets = [0, 55], sizes = [8, 2048], strides = [1, 1]} : vector<8x2176xf32> to vector<8x2048xf32>
      %swap3A_131 = arith.constant 72 : index
      %swap3A_132 = arith.constant 0 : index
      %swap3A_133 = vector.load %arg6[%swap3A_131, %swap3A_132] : memref<512x2048xf32, #tpu.memory_space<vmem>>, vector<8x2048xf32>
      tpu.vector_store %arg6[%swap3A_131, %swap3A_132], %slice3A_130 {strides = array<i32>} : memref<512x2048xf32, #tpu.memory_space<vmem>>, vector<8x2048xf32>,
      %mul3A_134 = arith.constant 512 : i32
      %mul3A_135 = arith.muli %arg0, %mul3A_134 : i32
      %sub3A_136 = arith.constant 1920 : i32
      %sub3A_137 = arith.subi %sub3A_136, %mul3A_135 : i32
      %multiple_of3A_138 = tpu.assume_multiple %sub3A_137, 128 : i32
      %get3A_139 = arith.constant 0 : index
      %get3A_140 = arith.index_cast %multiple_of3A_138 : i32 to index
      %get3A_141 = vector.load %arg5[%get3A_139, %get3A_140] : memref<8x4608xf32, #tpu.memory_space<vmem>>, vector<8x2176xf32>
      %slice3A_142 = vector.extract_strided_slice %get3A_141 {offsets = [0, 47], sizes = [8, 2048], strides = [1, 1]} : vector<8x2176xf32> to vector<8x2048xf32>
      %swap3A_143 = arith.constant 80 : index
      %swap3A_144 = arith.constant 0 : index
      %swap3A_145 = vector.load %arg6[%swap3A_143, %swap3A_144] : memref<512x2048xf32, #tpu.memory_space<vmem>>, vector<8x2048xf32>
      tpu.vector_store %arg6[%swap3A_143, %swap3A_144], %slice3A_142 {strides = array<i32>} : memref<512x2048xf32, #tpu.memory_space<vmem>>, vector<8x2048xf32>,
      %mul3A_146 = arith.constant 512 : i32
      %mul3A_147 = arith.muli %arg0, %mul3A_146 : i32
      %sub3A_148 = arith.constant 1920 : i32
      %sub3A_149 = arith.subi %sub3A_148, %mul3A_147 : i32
      %multiple_of3A_150 = tpu.assume_multiple %sub3A_149, 128 : i32
      %get3A_151 = arith.constant 0 : index
      %get3A_152 = arith.index_cast %multiple_of3A_150 : i32 to index
      %get3A_153 = vector.load %arg5[%get3A_151, %get3A_152] : memref<8x4608xf32, #tpu.memory_space<vmem>>, vector<8x2176xf32>
      %slice3A_154 = vector.extract_strided_slice %get3A_153 {offsets = [0, 39], sizes = [8, 2048], strides = [1, 1]} : vector<8x2176xf32> to vector<8x2048xf32>
      %swap3A_155 = arith.constant 88 : index
      %swap3A_156 = arith.constant 0 : index
      %swap3A_157 = vector.load %arg6[%swap3A_155, %swap3A_156] : memref<512x2048xf32, #tpu.memory_space<vmem>>, vector<8x2048xf32>
      tpu.vector_store %arg6[%swap3A_155, %swap3A_156], %slice3A_154 {strides = array<i32>} : memref<512x2048xf32, #tpu.memory_space<vmem>>, vector<8x2048xf32>,
      %mul3A_158 = arith.constant 512 : i32
      %mul3A_159 = arith.muli %arg0, %mul3A_158 : i32
      %sub3A_160 = arith.constant 1920 : i32
      %sub3A_161 = arith.subi %sub3A_160, %mul3A_159 : i32
      %multiple_of3A_162 = tpu.assume_multiple %sub3A_161, 128 : i32
      %get3A_163 = arith.constant 0 : index
      %get3A_164 = arith.index_cast %multiple_of3A_162 : i32 to index
      %get3A_165 = vector.load %arg5[%get3A_163, %get3A_164] : memref<8x4608xf32, #tpu.memory_space<vmem>>, vector<8x2176xf32>
      %slice3A_166 = vector.extract_strided_slice %get3A_165 {offsets = [0, 31], sizes = [8, 2048], strides = [1, 1]} : vector<8x2176xf32> to vector<8x2048xf32>
      %swap3A_167 = arith.constant 96 : index
      %swap3A_168 = arith.constant 0 : index
      %swap3A_169 = vector.load %arg6[%swap3A_167, %swap3A_168] : memref<512x2048xf32, #tpu.memory_space<vmem>>, vector<8x2048xf32>
      tpu.vector_store %arg6[%swap3A_167, %swap3A_168], %slice3A_166 {strides = array<i32>} : memref<512x2048xf32, #tpu.memory_space<vmem>>, vector<8x2048xf32>,
      %mul3A_170 = arith.constant 512 : i32
      %mul3A_171 = arith.muli %arg0, %mul3A_170 : i32
      %sub3A_172 = arith.constant 1920 : i32
      %sub3A_173 = arith.subi %sub3A_172, %mul3A_171 : i32
      %multiple_of3A_174 = tpu.assume_multiple %sub3A_173, 128 : i32
      %get3A_175 = arith.constant 0 : index
      %get3A_176 = arith.index_cast %multiple_of3A_174 : i32 to index
      %get3A_177 = vector.load %arg5[%get3A_175, %get3A_176] : memref<8x4608xf32, #tpu.memory_space<vmem>>, vector<8x2176xf32>
      %slice3A_178 = vector.extract_strided_slice %get3A_177 {offsets = [0, 23], sizes = [8, 2048], strides = [1, 1]} : vector<8x2176xf32> to vector<8x2048xf32>
      %swap3A_179 = arith.constant 104 : index
      %swap3A_180 = arith.constant 0 : index
      %swap3A_181 = vector.load %arg6[%swap3A_179, %swap3A_180] : memref<512x2048xf32, #tpu.memory_space<vmem>>, vector<8x2048xf32>
      tpu.vector_store %arg6[%swap3A_179, %swap3A_180], %slice3A_178 {strides = array<i32>} : memref<512x2048xf32, #tpu.memory_space<vmem>>, vector<8x2048xf32>,
      %mul3A_182 = arith.constant 512 : i32
      %mul3A_183 = arith.muli %arg0, %mul3A_182 : i32
      %sub3A_184 = arith.constant 1920 : i32
      %sub3A_185 = arith.subi %sub3A_184, %mul3A_183 : i32
      %multiple_of3A_186 = tpu.assume_multiple %sub3A_185, 128 : i32
      %get3A_187 = arith.constant 0 : index
      %get3A_188 = arith.index_cast %multiple_of3A_186 : i32 to index
      %get3A_189 = vector.load %arg5[%get3A_187, %get3A_188] : memref<8x4608xf32, #tpu.memory_space<vmem>>, vector<8x2176xf32>
      %slice3A_190 = vector.extract_strided_slice %get3A_189 {offsets = [0, 15], sizes = [8, 2048], strides = [1, 1]} : vector<8x2176xf32> to vector<8x2048xf32>
      %swap3A_191 = arith.constant 112 : index
      %swap3A_192 = arith.constant 0 : index
      %swap3A_193 = vector.load %arg6[%swap3A_191, %swap3A_192] : memref<512x2048xf32, #tpu.memory_space<vmem>>, vector<8x2048xf32>
      tpu.vector_store %arg6[%swap3A_191, %swap3A_192], %slice3A_190 {strides = array<i32>} : memref<512x2048xf32, #tpu.memory_space<vmem>>, vector<8x2048xf32>,
      %mul3A_194 = arith.constant 512 : i32
      %mul3A_195 = arith.muli %arg0, %mul3A_194 : i32
      %sub3A_196 = arith.constant 1920 : i32
      %sub3A_197 = arith.subi %sub3A_196, %mul3A_195 : i32
      %multiple_of3A_198 = tpu.assume_multiple %sub3A_197, 128 : i32
      %get3A_199 = arith.constant 0 : index
      %get3A_200 = arith.index_cast %multiple_of3A_198 : i32 to index
      %get3A_201 = vector.load %arg5[%get3A_199, %get3A_200] : memref<8x4608xf32, #tpu.memory_space<vmem>>, vector<8x2176xf32>
      %slice3A_202 = vector.extract_strided_slice %get3A_201 {offsets = [0, 7], sizes = [8, 2048], strides = [1, 1]} : vector<8x2176xf32> to vector<8x2048xf32>
      %swap3A_203 = arith.constant 120 : index
      %swap3A_204 = arith.constant 0 : index
      %swap3A_205 = vector.load %arg6[%swap3A_203, %swap3A_204] : memref<512x2048xf32, #tpu.memory_space<vmem>>, vector<8x2048xf32>
      tpu.vector_store %arg6[%swap3A_203, %swap3A_204], %slice3A_202 {strides = array<i32>} : memref<512x2048xf32, #tpu.memory_space<vmem>>, vector<8x2048xf32>,
      %mul3A_206 = arith.constant 512 : i32
      %mul3A_207 = arith.muli %arg0, %mul3A_206 : i32
      %sub3A_208 = arith.constant 1792 : i32
      %sub3A_209 = arith.subi %sub3A_208, %mul3A_207 : i32
      %multiple_of3A_210 = tpu.assume_multiple %sub3A_209, 128 : i32
      %get3A_211 = arith.constant 0 : index
      %get3A_212 = arith.index_cast %multiple_of3A_210 : i32 to index
      %get3A_213 = vector.load %arg5[%get3A_211, %get3A_212] : memref<8x4608xf32, #tpu.memory_space<vmem>>, vector<8x2176xf32>
      %slice3A_214 = vector.extract_strided_slice %get3A_213 {offsets = [0, 127], sizes = [8, 2048], strides = [1, 1]} : vector<8x2176xf32> to vector<8x2048xf32>
      %swap3A_215 = arith.constant 128 : index
      %swap3A_216 = arith.constant 0 : index
      %swap3A_217 = vector.load %arg6[%swap3A_215, %swap3A_216] : memref<512x2048xf32, #tpu.memory_space<vmem>>, vector<8x2048xf32>
      tpu.vector_store %arg6[%swap3A_215, %swap3A_216], %slice3A_214 {strides = array<i32>} : memref<512x2048xf32, #tpu.memory_space<vmem>>, vector<8x2048xf32>,
      %mul3A_218 = arith.constant 512 : i32
      %mul3A_219 = arith.muli %arg0, %mul3A_218 : i32
      %sub3A_220 = arith.constant 1792 : i32
      %sub3A_221 = arith.subi %sub3A_220, %mul3A_219 : i32
      %multiple_of3A_222 = tpu.assume_multiple %sub3A_221, 128 : i32
      %get3A_223 = arith.constant 0 : index
      %get3A_224 = arith.index_cast %multiple_of3A_222 : i32 to index
      %get3A_225 = vector.load %arg5[%get3A_223, %get3A_224] : memref<8x4608xf32, #tpu.memory_space<vmem>>, vector<8x2176xf32>
      %slice3A_226 = vector.extract_strided_slice %get3A_225 {offsets = [0, 119], sizes = [8, 2048], strides = [1, 1]} : vector<8x2176xf32> to vector<8x2048xf32>
      %swap3A_227 = arith.constant 136 : index
      %swap3A_228 = arith.constant 0 : index
      %swap3A_229 = vector.load %arg6[%swap3A_227, %swap3A_228] : memref<512x2048xf32, #tpu.memory_space<vmem>>, vector<8x2048xf32>
      tpu.vector_store %arg6[%swap3A_227, %swap3A_228], %slice3A_226 {strides = array<i32>} : memref<512x2048xf32, #tpu.memory_space<vmem>>, vector<8x2048xf32>,
      %mul3A_230 = arith.constant 512 : i32
      %mul3A_231 = arith.muli %arg0, %mul3A_230 : i32
      %sub3A_232 = arith.constant 1792 : i32
      %sub3A_233 = arith.subi %sub3A_232, %mul3A_231 : i32
      %multiple_of3A_234 = tpu.assume_multiple %sub3A_233, 128 : i32
      %get3A_235 = arith.constant 0 : index
      %get3A_236 = arith.index_cast %multiple_of3A_234 : i32 to index
      %get3A_237 = vector.load %arg5[%get3A_235, %get3A_236] : memref<8x4608xf32, #tpu.memory_space<vmem>>, vector<8x2176xf32>
      %slice3A_238 = vector.extract_strided_slice %get3A_237 {offsets = [0, 111], sizes = [8, 2048], strides = [1, 1]} : vector<8x2176xf32> to vector<8x2048xf32>
      %swap3A_239 = arith.constant 144 : index
      %swap3A_240 = arith.constant 0 : index
      %swap3A_241 = vector.load %arg6[%swap3A_239, %swap3A_240] : memref<512x2048xf32, #tpu.memory_space<vmem>>, vector<8x2048xf32>
      tpu.vector_store %arg6[%swap3A_239, %swap3A_240], %slice3A_238 {strides = array<i32>} : memref<512x2048xf32, #tpu.memory_space<vmem>>, vector<8x2048xf32>,
      %mul3A_242 = arith.constant 512 : i32
      %mul3A_243 = arith.muli %arg0, %mul3A_242 : i32
      %sub3A_244 = arith.constant 1792 : i32
      %sub3A_245 = arith.subi %sub3A_244, %mul3A_243 : i32
      %multiple_of3A_246 = tpu.assume_multiple %sub3A_245, 128 : i32
      %get3A_247 = arith.constant 0 : index
      %get3A_248 = arith.index_cast %multiple_of3A_246 : i32 to index
      %get3A_249 = vector.load %arg5[%get3A_247, %get3A_248] : memref<8x4608xf32, #tpu.memory_space<vmem>>, vector<8x2176xf32>
      %slice3A_250 = vector.extract_strided_slice %get3A_249 {offsets = [0, 103], sizes = [8, 2048], strides = [1, 1]} : vector<8x2176xf32> to vector<8x2048xf32>
      %swap3A_251 = arith.constant 152 : index
      %swap3A_252 = arith.constant 0 : index
      %swap3A_253 = vector.load %arg6[%swap3A_251, %swap3A_252] : memref<512x2048xf32, #tpu.memory_space<vmem>>, vector<8x2048xf32>
      tpu.vector_store %arg6[%swap3A_251, %swap3A_252], %slice3A_250 {strides = array<i32>} : memref<512x2048xf32, #tpu.memory_space<vmem>>, vector<8x2048xf32>,
      %mul3A_254 = arith.constant 512 : i32
      %mul3A_255 = arith.muli %arg0, %mul3A_254 : i32
      %sub3A_256 = arith.constant 1792 : i32
      %sub3A_257 = arith.subi %sub3A_256, %mul3A_255 : i32
      %multiple_of3A_258 = tpu.assume_multiple %sub3A_257, 128 : i32
      %get3A_259 = arith.constant 0 : index
      %get3A_260 = arith.index_cast %multiple_of3A_258 : i32 to index
      %get3A_261 = vector.load %arg5[%get3A_259, %get3A_260] : memref<8x4608xf32, #tpu.memory_space<vmem>>, vector<8x2176xf32>
      %slice3A_262 = vector.extract_strided_slice %get3A_261 {offsets = [0, 95], sizes = [8, 2048], strides = [1, 1]} : vector<8x2176xf32> to vector<8x2048xf32>
      %swap3A_263 = arith.constant 160 : index
      %swap3A_264 = arith.constant 0 : index
      %swap3A_265 = vector.load %arg6[%swap3A_263, %swap3A_264] : memref<512x2048xf32, #tpu.memory_space<vmem>>, vector<8x2048xf32>
      tpu.vector_store %arg6[%swap3A_263, %swap3A_264], %slice3A_262 {strides = array<i32>} : memref<512x2048xf32, #tpu.memory_space<vmem>>, vector<8x2048xf32>,
      %mul3A_266 = arith.constant 512 : i32
      %mul3A_267 = arith.muli %arg0, %mul3A_266 : i32
      %sub3A_268 = arith.constant 1792 : i32
      %sub3A_269 = arith.subi %sub3A_268, %mul3A_267 : i32
      %multiple_of3A_270 = tpu.assume_multiple %sub3A_269, 128 : i32
      %get3A_271 = arith.constant 0 : index
      %get3A_272 = arith.index_cast %multiple_of3A_270 : i32 to index
      %get3A_273 = vector.load %arg5[%get3A_271, %get3A_272] : memref<8x4608xf32, #tpu.memory_space<vmem>>, vector<8x2176xf32>
      %slice3A_274 = vector.extract_strided_slice %get3A_273 {offsets = [0, 87], sizes = [8, 2048], strides = [1, 1]} : vector<8x2176xf32> to vector<8x2048xf32>
      %swap3A_275 = arith.constant 168 : index
      %swap3A_276 = arith.constant 0 : index
      %swap3A_277 = vector.load %arg6[%swap3A_275, %swap3A_276] : memref<512x2048xf32, #tpu.memory_space<vmem>>, vector<8x2048xf32>
      tpu.vector_store %arg6[%swap3A_275, %swap3A_276], %slice3A_274 {strides = array<i32>} : memref<512x2048xf32, #tpu.memory_space<vmem>>, vector<8x2048xf32>,
      %mul3A_278 = arith.constant 512 : i32
      %mul3A_279 = arith.muli %arg0, %mul3A_278 : i32
      %sub3A_280 = arith.constant 1792 : i32
      %sub3A_281 = arith.subi %sub3A_280, %mul3A_279 : i32
      %multiple_of3A_282 = tpu.assume_multiple %sub3A_281, 128 : i32
      %get3A_283 = arith.constant 0 : index
      %get3A_284 = arith.index_cast %multiple_of3A_282 : i32 to index
      %get3A_285 = vector.load %arg5[%get3A_283, %get3A_284] : memref<8x4608xf32, #tpu.memory_space<vmem>>, vector<8x2176xf32>
      %slice3A_286 = vector.extract_strided_slice %get3A_285 {offsets = [0, 79], sizes = [8, 2048], strides = [1, 1]} : vector<8x2176xf32> to vector<8x2048xf32>
      %swap3A_287 = arith.constant 176 : index
      %swap3A_288 = arith.constant 0 : index
      %swap3A_289 = vector.load %arg6[%swap3A_287, %swap3A_288] : memref<512x2048xf32, #tpu.memory_space<vmem>>, vector<8x2048xf32>
      tpu.vector_store %arg6[%swap3A_287, %swap3A_288], %slice3A_286 {strides = array<i32>} : memref<512x2048xf32, #tpu.memory_space<vmem>>, vector<8x2048xf32>,
      %mul3A_290 = arith.constant 512 : i32
      %mul3A_291 = arith.muli %arg0, %mul3A_290 : i32
      %sub3A_292 = arith.constant 1792 : i32
      %sub3A_293 = arith.subi %sub3A_292, %mul3A_291 : i32
      %multiple_of3A_294 = tpu.assume_multiple %sub3A_293, 128 : i32
      %get3A_295 = arith.constant 0 : index
      %get3A_296 = arith.index_cast %multiple_of3A_294 : i32 to index
      %get3A_297 = vector.load %arg5[%get3A_295, %get3A_296] : memref<8x4608xf32, #tpu.memory_space<vmem>>, vector<8x2176xf32>
      %slice3A_298 = vector.extract_strided_slice %get3A_297 {offsets = [0, 71], sizes = [8, 2048], strides = [1, 1]} : vector<8x2176xf32> to vector<8x2048xf32>
      %swap3A_299 = arith.constant 184 : index
      %swap3A_300 = arith.constant 0 : index
      %swap3A_301 = vector.load %arg6[%swap3A_299, %swap3A_300] : memref<512x2048xf32, #tpu.memory_space<vmem>>, vector<8x2048xf32>
      tpu.vector_store %arg6[%swap3A_299, %swap3A_300], %slice3A_298 {strides = array<i32>} : memref<512x2048xf32, #tpu.memory_space<vmem>>, vector<8x2048xf32>,
      %mul3A_302 = arith.constant 512 : i32
      %mul3A_303 = arith.muli %arg0, %mul3A_302 : i32
      %sub3A_304 = arith.constant 1792 : i32
      %sub3A_305 = arith.subi %sub3A_304, %mul3A_303 : i32
      %multiple_of3A_306 = tpu.assume_multiple %sub3A_305, 128 : i32
      %get3A_307 = arith.constant 0 : index
      %get3A_308 = arith.index_cast %multiple_of3A_306 : i32 to index
      %get3A_309 = vector.load %arg5[%get3A_307, %get3A_308] : memref<8x4608xf32, #tpu.memory_space<vmem>>, vector<8x2176xf32>
      %slice3A_310 = vector.extract_strided_slice %get3A_309 {offsets = [0, 63], sizes = [8, 2048], strides = [1, 1]} : vector<8x2176xf32> to vector<8x2048xf32>
      %swap3A_311 = arith.constant 192 : index
      %swap3A_312 = arith.constant 0 : index
      %swap3A_313 = vector.load %arg6[%swap3A_311, %swap3A_312] : memref<512x2048xf32, #tpu.memory_space<vmem>>, vector<8x2048xf32>
      tpu.vector_store %arg6[%swap3A_311, %swap3A_312], %slice3A_310 {strides = array<i32>} : memref<512x2048xf32, #tpu.memory_space<vmem>>, vector<8x2048xf32>,
      %mul3A_314 = arith.constant 512 : i32
      %mul3A_315 = arith.muli %arg0, %mul3A_314 : i32
      %sub3A_316 = arith.constant 1792 : i32
      %sub3A_317 = arith.subi %sub3A_316, %mul3A_315 : i32
      %multiple_of3A_318 = tpu.assume_multiple %sub3A_317, 128 : i32
      %get3A_319 = arith.constant 0 : index
      %get3A_320 = arith.index_cast %multiple_of3A_318 : i32 to index
      %get3A_321 = vector.load %arg5[%get3A_319, %get3A_320] : memref<8x4608xf32, #tpu.memory_space<vmem>>, vector<8x2176xf32>
      %slice3A_322 = vector.extract_strided_slice %get3A_321 {offsets = [0, 55], sizes = [8, 2048], strides = [1, 1]} : vector<8x2176xf32> to vector<8x2048xf32>
      %swap3A_323 = arith.constant 200 : index
      %swap3A_324 = arith.constant 0 : index
      %swap3A_325 = vector.load %arg6[%swap3A_323, %swap3A_324] : memref<512x2048xf32, #tpu.memory_space<vmem>>, vector<8x2048xf32>
      tpu.vector_store %arg6[%swap3A_323, %swap3A_324], %slice3A_322 {strides = array<i32>} : memref<512x2048xf32, #tpu.memory_space<vmem>>, vector<8x2048xf32>,
      %mul3A_326 = arith.constant 512 : i32
      %mul3A_327 = arith.muli %arg0, %mul3A_326 : i32
      %sub3A_328 = arith.constant 1792 : i32
      %sub3A_329 = arith.subi %sub3A_328, %mul3A_327 : i32
      %multiple_of3A_330 = tpu.assume_multiple %sub3A_329, 128 : i32
      %get3A_331 = arith.constant 0 : index
      %get3A_332 = arith.index_cast %multiple_of3A_330 : i32 to index
      %get3A_333 = vector.load %arg5[%get3A_331, %get3A_332] : memref<8x4608xf32, #tpu.memory_space<vmem>>, vector<8x2176xf32>
      %slice3A_334 = vector.extract_strided_slice %get3A_333 {offsets = [0, 47], sizes = [8, 2048], strides = [1, 1]} : vector<8x2176xf32> to vector<8x2048xf32>
      %swap3A_335 = arith.constant 208 : index
      %swap3A_336 = arith.constant 0 : index
      %swap3A_337 = vector.load %arg6[%swap3A_335, %swap3A_336] : memref<512x2048xf32, #tpu.memory_space<vmem>>, vector<8x2048xf32>
      tpu.vector_store %arg6[%swap3A_335, %swap3A_336], %slice3A_334 {strides = array<i32>} : memref<512x2048xf32, #tpu.memory_space<vmem>>, vector<8x2048xf32>,
      %mul3A_338 = arith.constant 512 : i32
      %mul3A_339 = arith.muli %arg0, %mul3A_338 : i32
      %sub3A_340 = arith.constant 1792 : i32
      %sub3A_341 = arith.subi %sub3A_340, %mul3A_339 : i32
      %multiple_of3A_342 = tpu.assume_multiple %sub3A_341, 128 : i32
      %get3A_343 = arith.constant 0 : index
      %get3A_344 = arith.index_cast %multiple_of3A_342 : i32 to index
      %get3A_345 = vector.load %arg5[%get3A_343, %get3A_344] : memref<8x4608xf32, #tpu.memory_space<vmem>>, vector<8x2176xf32>
      %slice3A_346 = vector.extract_strided_slice %get3A_345 {offsets = [0, 39], sizes = [8, 2048], strides = [1, 1]} : vector<8x2176xf32> to vector<8x2048xf32>
      %swap3A_347 = arith.constant 216 : index
      %swap3A_348 = arith.constant 0 : index
      %swap3A_349 = vector.load %arg6[%swap3A_347, %swap3A_348] : memref<512x2048xf32, #tpu.memory_space<vmem>>, vector<8x2048xf32>
      tpu.vector_store %arg6[%swap3A_347, %swap3A_348], %slice3A_346 {strides = array<i32>} : memref<512x2048xf32, #tpu.memory_space<vmem>>, vector<8x2048xf32>,
      %mul3A_350 = arith.constant 512 : i32
      %mul3A_351 = arith.muli %arg0, %mul3A_350 : i32
      %sub3A_352 = arith.constant 1792 : i32
      %sub3A_353 = arith.subi %sub3A_352, %mul3A_351 : i32
      %multiple_of3A_354 = tpu.assume_multiple %sub3A_353, 128 : i32
      %get3A_355 = arith.constant 0 : index
      %get3A_356 = arith.index_cast %multiple_of3A_354 : i32 to index
      %get3A_357 = vector.load %arg5[%get3A_355, %get3A_356] : memref<8x4608xf32, #tpu.memory_space<vmem>>, vector<8x2176xf32>
      %slice3A_358 = vector.extract_strided_slice %get3A_357 {offsets = [0, 31], sizes = [8, 2048], strides = [1, 1]} : vector<8x2176xf32> to vector<8x2048xf32>
      %swap3A_359 = arith.constant 224 : index
      %swap3A_360 = arith.constant 0 : index
      %swap3A_361 = vector.load %arg6[%swap3A_359, %swap3A_360] : memref<512x2048xf32, #tpu.memory_space<vmem>>, vector<8x2048xf32>
      tpu.vector_store %arg6[%swap3A_359, %swap3A_360], %slice3A_358 {strides = array<i32>} : memref<512x2048xf32, #tpu.memory_space<vmem>>, vector<8x2048xf32>,
      %mul3A_362 = arith.constant 512 : i32
      %mul3A_363 = arith.muli %arg0, %mul3A_362 : i32
      %sub3A_364 = arith.constant 1792 : i32
      %sub3A_365 = arith.subi %sub3A_364, %mul3A_363 : i32
      %multiple_of3A_366 = tpu.assume_multiple %sub3A_365, 128 : i32
      %get3A_367 = arith.constant 0 : index
      %get3A_368 = arith.index_cast %multiple_of3A_366 : i32 to index
      %get3A_369 = vector.load %arg5[%get3A_367, %get3A_368] : memref<8x4608xf32, #tpu.memory_space<vmem>>, vector<8x2176xf32>
      %slice3A_370 = vector.extract_strided_slice %get3A_369 {offsets = [0, 23], sizes = [8, 2048], strides = [1, 1]} : vector<8x2176xf32> to vector<8x2048xf32>
      %swap3A_371 = arith.constant 232 : index
      %swap3A_372 = arith.constant 0 : index
      %swap3A_373 = vector.load %arg6[%swap3A_371, %swap3A_372] : memref<512x2048xf32, #tpu.memory_space<vmem>>, vector<8x2048xf32>
      tpu.vector_store %arg6[%swap3A_371, %swap3A_372], %slice3A_370 {strides = array<i32>} : memref<512x2048xf32, #tpu.memory_space<vmem>>, vector<8x2048xf32>,
      %mul3A_374 = arith.constant 512 : i32
      %mul3A_375 = arith.muli %arg0, %mul3A_374 : i32
      %sub3A_376 = arith.constant 1792 : i32
      %sub3A_377 = arith.subi %sub3A_376, %mul3A_375 : i32
      %multiple_of3A_378 = tpu.assume_multiple %sub3A_377, 128 : i32
      %get3A_379 = arith.constant 0 : index
      %get3A_380 = arith.index_cast %multiple_of3A_378 : i32 to index
      %get3A_381 = vector.load %arg5[%get3A_379, %get3A_380] : memref<8x4608xf32, #tpu.memory_space<vmem>>, vector<8x2176xf32>
      %slice3A_382 = vector.extract_strided_slice %get3A_381 {offsets = [0, 15], sizes = [8, 2048], strides = [1, 1]} : vector<8x2176xf32> to vector<8x2048xf32>
      %swap3A_383 = arith.constant 240 : index
      %swap3A_384 = arith.constant 0 : index
      %swap3A_385 = vector.load %arg6[%swap3A_383, %swap3A_384] : memref<512x2048xf32, #tpu.memory_space<vmem>>, vector<8x2048xf32>
      tpu.vector_store %arg6[%swap3A_383, %swap3A_384], %slice3A_382 {strides = array<i32>} : memref<512x2048xf32, #tpu.memory_space<vmem>>, vector<8x2048xf32>,
      %mul3A_386 = arith.constant 512 : i32
      %mul3A_387 = arith.muli %arg0, %mul3A_386 : i32
      %sub3A_388 = arith.constant 1792 : i32
      %sub3A_389 = arith.subi %sub3A_388, %mul3A_387 : i32
      %multiple_of3A_390 = tpu.assume_multiple %sub3A_389, 128 : i32
      %get3A_391 = arith.constant 0 : index
      %get3A_392 = arith.index_cast %multiple_of3A_390 : i32 to index
      %get3A_393 = vector.load %arg5[%get3A_391, %get3A_392] : memref<8x4608xf32, #tpu.memory_space<vmem>>, vector<8x2176xf32>
      %slice3A_394 = vector.extract_strided_slice %get3A_393 {offsets = [0, 7], sizes = [8, 2048], strides = [1, 1]} : vector<8x2176xf32> to vector<8x2048xf32>
      %swap3A_395 = arith.constant 248 : index
      %swap3A_396 = arith.constant 0 : index
      %swap3A_397 = vector.load %arg6[%swap3A_395, %swap3A_396] : memref<512x2048xf32, #tpu.memory_space<vmem>>, vector<8x2048xf32>
      tpu.vector_store %arg6[%swap3A_395, %swap3A_396], %slice3A_394 {strides = array<i32>} : memref<512x2048xf32, #tpu.memory_space<vmem>>, vector<8x2048xf32>,
      %mul3A_398 = arith.constant 512 : i32
      %mul3A_399 = arith.muli %arg0, %mul3A_398 : i32
      %sub3A_400 = arith.constant 1664 : i32
      %sub3A_401 = arith.subi %sub3A_400, %mul3A_399 : i32
      %multiple_of3A_402 = tpu.assume_multiple %sub3A_401, 128 : i32
      %get3A_403 = arith.constant 0 : index
      %get3A_404 = arith.index_cast %multiple_of3A_402 : i32 to index
      %get3A_405 = vector.load %arg5[%get3A_403, %get3A_404] : memref<8x4608xf32, #tpu.memory_space<vmem>>, vector<8x2176xf32>
      %slice3A_406 = vector.extract_strided_slice %get3A_405 {offsets = [0, 127], sizes = [8, 2048], strides = [1, 1]} : vector<8x2176xf32> to vector<8x2048xf32>
      %swap3A_407 = arith.constant 256 : index
      %swap3A_408 = arith.constant 0 : index
      %swap3A_409 = vector.load %arg6[%swap3A_407, %swap3A_408] : memref<512x2048xf32, #tpu.memory_space<vmem>>, vector<8x2048xf32>
      tpu.vector_store %arg6[%swap3A_407, %swap3A_408], %slice3A_406 {strides = array<i32>} : memref<512x2048xf32, #tpu.memory_space<vmem>>, vector<8x2048xf32>,
      %mul3A_410 = arith.constant 512 : i32
      %mul3A_411 = arith.muli %arg0, %mul3A_410 : i32
      %sub3A_412 = arith.constant 1664 : i32
      %sub3A_413 = arith.subi %sub3A_412, %mul3A_411 : i32
      %multiple_of3A_414 = tpu.assume_multiple %sub3A_413, 128 : i32
      %get3A_415 = arith.constant 0 : index
      %get3A_416 = arith.index_cast %multiple_of3A_414 : i32 to index
      %get3A_417 = vector.load %arg5[%get3A_415, %get3A_416] : memref<8x4608xf32, #tpu.memory_space<vmem>>, vector<8x2176xf32>
      %slice3A_418 = vector.extract_strided_slice %get3A_417 {offsets = [0, 119], sizes = [8, 2048], strides = [1, 1]} : vector<8x2176xf32> to vector<8x2048xf32>
      %swap3A_419 = arith.constant 264 : index
      %swap3A_420 = arith.constant 0 : index
      %swap3A_421 = vector.load %arg6[%swap3A_419, %swap3A_420] : memref<512x2048xf32, #tpu.memory_space<vmem>>, vector<8x2048xf32>
      tpu.vector_store %arg6[%swap3A_419, %swap3A_420], %slice3A_418 {strides = array<i32>} : memref<512x2048xf32, #tpu.memory_space<vmem>>, vector<8x2048xf32>,
      %mul3A_422 = arith.constant 512 : i32
      %mul3A_423 = arith.muli %arg0, %mul3A_422 : i32
      %sub3A_424 = arith.constant 1664 : i32
      %sub3A_425 = arith.subi %sub3A_424, %mul3A_423 : i32
      %multiple_of3A_426 = tpu.assume_multiple %sub3A_425, 128 : i32
      %get3A_427 = arith.constant 0 : index
      %get3A_428 = arith.index_cast %multiple_of3A_426 : i32 to index
      %get3A_429 = vector.load %arg5[%get3A_427, %get3A_428] : memref<8x4608xf32, #tpu.memory_space<vmem>>, vector<8x2176xf32>
      %slice3A_430 = vector.extract_strided_slice %get3A_429 {offsets = [0, 111], sizes = [8, 2048], strides = [1, 1]} : vector<8x2176xf32> to vector<8x2048xf32>
      %swap3A_431 = arith.constant 272 : index
      %swap3A_432 = arith.constant 0 : index
      %swap3A_433 = vector.load %arg6[%swap3A_431, %swap3A_432] : memref<512x2048xf32, #tpu.memory_space<vmem>>, vector<8x2048xf32>
      tpu.vector_store %arg6[%swap3A_431, %swap3A_432], %slice3A_430 {strides = array<i32>} : memref<512x2048xf32, #tpu.memory_space<vmem>>, vector<8x2048xf32>,
      %mul3A_434 = arith.constant 512 : i32
      %mul3A_435 = arith.muli %arg0, %mul3A_434 : i32
      %sub3A_436 = arith.constant 1664 : i32
      %sub3A_437 = arith.subi %sub3A_436, %mul3A_435 : i32
      %multiple_of3A_438 = tpu.assume_multiple %sub3A_437, 128 : i32
      %get3A_439 = arith.constant 0 : index
      %get3A_440 = arith.index_cast %multiple_of3A_438 : i32 to index
      %get3A_441 = vector.load %arg5[%get3A_439, %get3A_440] : memref<8x4608xf32, #tpu.memory_space<vmem>>, vector<8x2176xf32>
      %slice3A_442 = vector.extract_strided_slice %get3A_441 {offsets = [0, 103], sizes = [8, 2048], strides = [1, 1]} : vector<8x2176xf32> to vector<8x2048xf32>
      %swap3A_443 = arith.constant 280 : index
      %swap3A_444 = arith.constant 0 : index
      %swap3A_445 = vector.load %arg6[%swap3A_443, %swap3A_444] : memref<512x2048xf32, #tpu.memory_space<vmem>>, vector<8x2048xf32>
      tpu.vector_store %arg6[%swap3A_443, %swap3A_444], %slice3A_442 {strides = array<i32>} : memref<512x2048xf32, #tpu.memory_space<vmem>>, vector<8x2048xf32>,
      %mul3A_446 = arith.constant 512 : i32
      %mul3A_447 = arith.muli %arg0, %mul3A_446 : i32
      %sub3A_448 = arith.constant 1664 : i32
      %sub3A_449 = arith.subi %sub3A_448, %mul3A_447 : i32
      %multiple_of3A_450 = tpu.assume_multiple %sub3A_449, 128 : i32
      %get3A_451 = arith.constant 0 : index
      %get3A_452 = arith.index_cast %multiple_of3A_450 : i32 to index
      %get3A_453 = vector.load %arg5[%get3A_451, %get3A_452] : memref<8x4608xf32, #tpu.memory_space<vmem>>, vector<8x2176xf32>
      %slice3A_454 = vector.extract_strided_slice %get3A_453 {offsets = [0, 95], sizes = [8, 2048], strides = [1, 1]} : vector<8x2176xf32> to vector<8x2048xf32>
      %swap3A_455 = arith.constant 288 : index
      %swap3A_456 = arith.constant 0 : index
      %swap3A_457 = vector.load %arg6[%swap3A_455, %swap3A_456] : memref<512x2048xf32, #tpu.memory_space<vmem>>, vector<8x2048xf32>
      tpu.vector_store %arg6[%swap3A_455, %swap3A_456], %slice3A_454 {strides = array<i32>} : memref<512x2048xf32, #tpu.memory_space<vmem>>, vector<8x2048xf32>,
      %mul3A_458 = arith.constant 512 : i32
      %mul3A_459 = arith.muli %arg0, %mul3A_458 : i32
      %sub3A_460 = arith.constant 1664 : i32
      %sub3A_461 = arith.subi %sub3A_460, %mul3A_459 : i32
      %multiple_of3A_462 = tpu.assume_multiple %sub3A_461, 128 : i32
      %get3A_463 = arith.constant 0 : index
      %get3A_464 = arith.index_cast %multiple_of3A_462 : i32 to index
      %get3A_465 = vector.load %arg5[%get3A_463, %get3A_464] : memref<8x4608xf32, #tpu.memory_space<vmem>>, vector<8x2176xf32>
      %slice3A_466 = vector.extract_strided_slice %get3A_465 {offsets = [0, 87], sizes = [8, 2048], strides = [1, 1]} : vector<8x2176xf32> to vector<8x2048xf32>
      %swap3A_467 = arith.constant 296 : index
      %swap3A_468 = arith.constant 0 : index
      %swap3A_469 = vector.load %arg6[%swap3A_467, %swap3A_468] : memref<512x2048xf32, #tpu.memory_space<vmem>>, vector<8x2048xf32>
      tpu.vector_store %arg6[%swap3A_467, %swap3A_468], %slice3A_466 {strides = array<i32>} : memref<512x2048xf32, #tpu.memory_space<vmem>>, vector<8x2048xf32>,
      %mul3A_470 = arith.constant 512 : i32
      %mul3A_471 = arith.muli %arg0, %mul3A_470 : i32
      %sub3A_472 = arith.constant 1664 : i32
      %sub3A_473 = arith.subi %sub3A_472, %mul3A_471 : i32
      %multiple_of3A_474 = tpu.assume_multiple %sub3A_473, 128 : i32
      %get3A_475 = arith.constant 0 : index
      %get3A_476 = arith.index_cast %multiple_of3A_474 : i32 to index
      %get3A_477 = vector.load %arg5[%get3A_475, %get3A_476] : memref<8x4608xf32, #tpu.memory_space<vmem>>, vector<8x2176xf32>
      %slice3A_478 = vector.extract_strided_slice %get3A_477 {offsets = [0, 79], sizes = [8, 2048], strides = [1, 1]} : vector<8x2176xf32> to vector<8x2048xf32>
      %swap3A_479 = arith.constant 304 : index
      %swap3A_480 = arith.constant 0 : index
      %swap3A_481 = vector.load %arg6[%swap3A_479, %swap3A_480] : memref<512x2048xf32, #tpu.memory_space<vmem>>, vector<8x2048xf32>
      tpu.vector_store %arg6[%swap3A_479, %swap3A_480], %slice3A_478 {strides = array<i32>} : memref<512x2048xf32, #tpu.memory_space<vmem>>, vector<8x2048xf32>,
      %mul3A_482 = arith.constant 512 : i32
      %mul3A_483 = arith.muli %arg0, %mul3A_482 : i32
      %sub3A_484 = arith.constant 1664 : i32
      %sub3A_485 = arith.subi %sub3A_484, %mul3A_483 : i32
      %multiple_of3A_486 = tpu.assume_multiple %sub3A_485, 128 : i32
      %get3A_487 = arith.constant 0 : index
      %get3A_488 = arith.index_cast %multiple_of3A_486 : i32 to index
      %get3A_489 = vector.load %arg5[%get3A_487, %get3A_488] : memref<8x4608xf32, #tpu.memory_space<vmem>>, vector<8x2176xf32>
      %slice3A_490 = vector.extract_strided_slice %get3A_489 {offsets = [0, 71], sizes = [8, 2048], strides = [1, 1]} : vector<8x2176xf32> to vector<8x2048xf32>
      %swap3A_491 = arith.constant 312 : index
      %swap3A_492 = arith.constant 0 : index
      %swap3A_493 = vector.load %arg6[%swap3A_491, %swap3A_492] : memref<512x2048xf32, #tpu.memory_space<vmem>>, vector<8x2048xf32>
      tpu.vector_store %arg6[%swap3A_491, %swap3A_492], %slice3A_490 {strides = array<i32>} : memref<512x2048xf32, #tpu.memory_space<vmem>>, vector<8x2048xf32>,
      %mul3A_494 = arith.constant 512 : i32
      %mul3A_495 = arith.muli %arg0, %mul3A_494 : i32
      %sub3A_496 = arith.constant 1664 : i32
      %sub3A_497 = arith.subi %sub3A_496, %mul3A_495 : i32
      %multiple_of3A_498 = tpu.assume_multiple %sub3A_497, 128 : i32
      %get3A_499 = arith.constant 0 : index
      %get3A_500 = arith.index_cast %multiple_of3A_498 : i32 to index
      %get3A_501 = vector.load %arg5[%get3A_499, %get3A_500] : memref<8x4608xf32, #tpu.memory_space<vmem>>, vector<8x2176xf32>
      %slice3A_502 = vector.extract_strided_slice %get3A_501 {offsets = [0, 63], sizes = [8, 2048], strides = [1, 1]} : vector<8x2176xf32> to vector<8x2048xf32>
      %swap3A_503 = arith.constant 320 : index
      %swap3A_504 = arith.constant 0 : index
      %swap3A_505 = vector.load %arg6[%swap3A_503, %swap3A_504] : memref<512x2048xf32, #tpu.memory_space<vmem>>, vector<8x2048xf32>
      tpu.vector_store %arg6[%swap3A_503, %swap3A_504], %slice3A_502 {strides = array<i32>} : memref<512x2048xf32, #tpu.memory_space<vmem>>, vector<8x2048xf32>,
      %mul3A_506 = arith.constant 512 : i32
      %mul3A_507 = arith.muli %arg0, %mul3A_506 : i32
      %sub3A_508 = arith.constant 1664 : i32
      %sub3A_509 = arith.subi %sub3A_508, %mul3A_507 : i32
      %multiple_of3A_510 = tpu.assume_multiple %sub3A_509, 128 : i32
      %get3A_511 = arith.constant 0 : index
      %get3A_512 = arith.index_cast %multiple_of3A_510 : i32 to index
      %get3A_513 = vector.load %arg5[%get3A_511, %get3A_512] : memref<8x4608xf32, #tpu.memory_space<vmem>>, vector<8x2176xf32>
      %slice3A_514 = vector.extract_strided_slice %get3A_513 {offsets = [0, 55], sizes = [8, 2048], strides = [1, 1]} : vector<8x2176xf32> to vector<8x2048xf32>
      %swap3A_515 = arith.constant 328 : index
      %swap3A_516 = arith.constant 0 : index
      %swap3A_517 = vector.load %arg6[%swap3A_515, %swap3A_516] : memref<512x2048xf32, #tpu.memory_space<vmem>>, vector<8x2048xf32>
      tpu.vector_store %arg6[%swap3A_515, %swap3A_516], %slice3A_514 {strides = array<i32>} : memref<512x2048xf32, #tpu.memory_space<vmem>>, vector<8x2048xf32>,
      %mul3A_518 = arith.constant 512 : i32
      %mul3A_519 = arith.muli %arg0, %mul3A_518 : i32
      %sub3A_520 = arith.constant 1664 : i32
      %sub3A_521 = arith.subi %sub3A_520, %mul3A_519 : i32
      %multiple_of3A_522 = tpu.assume_multiple %sub3A_521, 128 : i32
      %get3A_523 = arith.constant 0 : index
      %get3A_524 = arith.index_cast %multiple_of3A_522 : i32 to index
      %get3A_525 = vector.load %arg5[%get3A_523, %get3A_524] : memref<8x4608xf32, #tpu.memory_space<vmem>>, vector<8x2176xf32>
      %slice3A_526 = vector.extract_strided_slice %get3A_525 {offsets = [0, 47], sizes = [8, 2048], strides = [1, 1]} : vector<8x2176xf32> to vector<8x2048xf32>
      %swap3A_527 = arith.constant 336 : index
      %swap3A_528 = arith.constant 0 : index
      %swap3A_529 = vector.load %arg6[%swap3A_527, %swap3A_528] : memref<512x2048xf32, #tpu.memory_space<vmem>>, vector<8x2048xf32>
      tpu.vector_store %arg6[%swap3A_527, %swap3A_528], %slice3A_526 {strides = array<i32>} : memref<512x2048xf32, #tpu.memory_space<vmem>>, vector<8x2048xf32>,
      %mul3A_530 = arith.constant 512 : i32
      %mul3A_531 = arith.muli %arg0, %mul3A_530 : i32
      %sub3A_532 = arith.constant 1664 : i32
      %sub3A_533 = arith.subi %sub3A_532, %mul3A_531 : i32
      %multiple_of3A_534 = tpu.assume_multiple %sub3A_533, 128 : i32
      %get3A_535 = arith.constant 0 : index
      %get3A_536 = arith.index_cast %multiple_of3A_534 : i32 to index
      %get3A_537 = vector.load %arg5[%get3A_535, %get3A_536] : memref<8x4608xf32, #tpu.memory_space<vmem>>, vector<8x2176xf32>
      %slice3A_538 = vector.extract_strided_slice %get3A_537 {offsets = [0, 39], sizes = [8, 2048], strides = [1, 1]} : vector<8x2176xf32> to vector<8x2048xf32>
      %swap3A_539 = arith.constant 344 : index
      %swap3A_540 = arith.constant 0 : index
      %swap3A_541 = vector.load %arg6[%swap3A_539, %swap3A_540] : memref<512x2048xf32, #tpu.memory_space<vmem>>, vector<8x2048xf32>
      tpu.vector_store %arg6[%swap3A_539, %swap3A_540], %slice3A_538 {strides = array<i32>} : memref<512x2048xf32, #tpu.memory_space<vmem>>, vector<8x2048xf32>,
      %mul3A_542 = arith.constant 512 : i32
      %mul3A_543 = arith.muli %arg0, %mul3A_542 : i32
      %sub3A_544 = arith.constant 1664 : i32
      %sub3A_545 = arith.subi %sub3A_544, %mul3A_543 : i32
      %multiple_of3A_546 = tpu.assume_multiple %sub3A_545, 128 : i32
      %get3A_547 = arith.constant 0 : index
      %get3A_548 = arith.index_cast %multiple_of3A_546 : i32 to index
      %get3A_549 = vector.load %arg5[%get3A_547, %get3A_548] : memref<8x4608xf32, #tpu.memory_space<vmem>>, vector<8x2176xf32>
      %slice3A_550 = vector.extract_strided_slice %get3A_549 {offsets = [0, 31], sizes = [8, 2048], strides = [1, 1]} : vector<8x2176xf32> to vector<8x2048xf32>
      %swap3A_551 = arith.constant 352 : index
      %swap3A_552 = arith.constant 0 : index
      %swap3A_553 = vector.load %arg6[%swap3A_551, %swap3A_552] : memref<512x2048xf32, #tpu.memory_space<vmem>>, vector<8x2048xf32>
      tpu.vector_store %arg6[%swap3A_551, %swap3A_552], %slice3A_550 {strides = array<i32>} : memref<512x2048xf32, #tpu.memory_space<vmem>>, vector<8x2048xf32>,
      %mul3A_554 = arith.constant 512 : i32
      %mul3A_555 = arith.muli %arg0, %mul3A_554 : i32
      %sub3A_556 = arith.constant 1664 : i32
      %sub3A_557 = arith.subi %sub3A_556, %mul3A_555 : i32
      %multiple_of3A_558 = tpu.assume_multiple %sub3A_557, 128 : i32
      %get3A_559 = arith.constant 0 : index
      %get3A_560 = arith.index_cast %multiple_of3A_558 : i32 to index
      %get3A_561 = vector.load %arg5[%get3A_559, %get3A_560] : memref<8x4608xf32, #tpu.memory_space<vmem>>, vector<8x2176xf32>
      %slice3A_562 = vector.extract_strided_slice %get3A_561 {offsets = [0, 23], sizes = [8, 2048], strides = [1, 1]} : vector<8x2176xf32> to vector<8x2048xf32>
      %swap3A_563 = arith.constant 360 : index
      %swap3A_564 = arith.constant 0 : index
      %swap3A_565 = vector.load %arg6[%swap3A_563, %swap3A_564] : memref<512x2048xf32, #tpu.memory_space<vmem>>, vector<8x2048xf32>
      tpu.vector_store %arg6[%swap3A_563, %swap3A_564], %slice3A_562 {strides = array<i32>} : memref<512x2048xf32, #tpu.memory_space<vmem>>, vector<8x2048xf32>,
      %mul3A_566 = arith.constant 512 : i32
      %mul3A_567 = arith.muli %arg0, %mul3A_566 : i32
      %sub3A_568 = arith.constant 1664 : i32
      %sub3A_569 = arith.subi %sub3A_568, %mul3A_567 : i32
      %multiple_of3A_570 = tpu.assume_multiple %sub3A_569, 128 : i32
      %get3A_571 = arith.constant 0 : index
      %get3A_572 = arith.index_cast %multiple_of3A_570 : i32 to index
      %get3A_573 = vector.load %arg5[%get3A_571, %get3A_572] : memref<8x4608xf32, #tpu.memory_space<vmem>>, vector<8x2176xf32>
      %slice3A_574 = vector.extract_strided_slice %get3A_573 {offsets = [0, 15], sizes = [8, 2048], strides = [1, 1]} : vector<8x2176xf32> to vector<8x2048xf32>
      %swap3A_575 = arith.constant 368 : index
      %swap3A_576 = arith.constant 0 : index
      %swap3A_577 = vector.load %arg6[%swap3A_575, %swap3A_576] : memref<512x2048xf32, #tpu.memory_space<vmem>>, vector<8x2048xf32>
      tpu.vector_store %arg6[%swap3A_575, %swap3A_576], %slice3A_574 {strides = array<i32>} : memref<512x2048xf32, #tpu.memory_space<vmem>>, vector<8x2048xf32>,
      %mul3A_578 = arith.constant 512 : i32
      %mul3A_579 = arith.muli %arg0, %mul3A_578 : i32
      %sub3A_580 = arith.constant 1664 : i32
      %sub3A_581 = arith.subi %sub3A_580, %mul3A_579 : i32
      %multiple_of3A_582 = tpu.assume_multiple %sub3A_581, 128 : i32
      %get3A_583 = arith.constant 0 : index
      %get3A_584 = arith.index_cast %multiple_of3A_582 : i32 to index
      %get3A_585 = vector.load %arg5[%get3A_583, %get3A_584] : memref<8x4608xf32, #tpu.memory_space<vmem>>, vector<8x2176xf32>
      %slice3A_586 = vector.extract_strided_slice %get3A_585 {offsets = [0, 7], sizes = [8, 2048], strides = [1, 1]} : vector<8x2176xf32> to vector<8x2048xf32>
      %swap3A_587 = arith.constant 376 : index
      %swap3A_588 = arith.constant 0 : index
      %swap3A_589 = vector.load %arg6[%swap3A_587, %swap3A_588] : memref<512x2048xf32, #tpu.memory_space<vmem>>, vector<8x2048xf32>
      tpu.vector_store %arg6[%swap3A_587, %swap3A_588], %slice3A_586 {strides = array<i32>} : memref<512x2048xf32, #tpu.memory_space<vmem>>, vector<8x2048xf32>,
      %mul3A_590 = arith.constant 512 : i32
      %mul3A_591 = arith.muli %arg0, %mul3A_590 : i32
      %sub3A_592 = arith.constant 1536 : i32
      %sub3A_593 = arith.subi %sub3A_592, %mul3A_591 : i32
      %multiple_of3A_594 = tpu.assume_multiple %sub3A_593, 128 : i32
      %get3A_595 = arith.constant 0 : index
      %get3A_596 = arith.index_cast %multiple_of3A_594 : i32 to index
      %get3A_597 = vector.load %arg5[%get3A_595, %get3A_596] : memref<8x4608xf32, #tpu.memory_space<vmem>>, vector<8x2176xf32>
      %slice3A_598 = vector.extract_strided_slice %get3A_597 {offsets = [0, 127], sizes = [8, 2048], strides = [1, 1]} : vector<8x2176xf32> to vector<8x2048xf32>
      %swap3A_599 = arith.constant 384 : index
      %swap3A_600 = arith.constant 0 : index
      %swap3A_601 = vector.load %arg6[%swap3A_599, %swap3A_600] : memref<512x2048xf32, #tpu.memory_space<vmem>>, vector<8x2048xf32>
      tpu.vector_store %arg6[%swap3A_599, %swap3A_600], %slice3A_598 {strides = array<i32>} : memref<512x2048xf32, #tpu.memory_space<vmem>>, vector<8x2048xf32>,
      %mul3A_602 = arith.constant 512 : i32
      %mul3A_603 = arith.muli %arg0, %mul3A_602 : i32
      %sub3A_604 = arith.constant 1536 : i32
      %sub3A_605 = arith.subi %sub3A_604, %mul3A_603 : i32
      %multiple_of3A_606 = tpu.assume_multiple %sub3A_605, 128 : i32
      %get3A_607 = arith.constant 0 : index
      %get3A_608 = arith.index_cast %multiple_of3A_606 : i32 to index
      %get3A_609 = vector.load %arg5[%get3A_607, %get3A_608] : memref<8x4608xf32, #tpu.memory_space<vmem>>, vector<8x2176xf32>
      %slice3A_610 = vector.extract_strided_slice %get3A_609 {offsets = [0, 119], sizes = [8, 2048], strides = [1, 1]} : vector<8x2176xf32> to vector<8x2048xf32>
      %swap3A_611 = arith.constant 392 : index
      %swap3A_612 = arith.constant 0 : index
      %swap3A_613 = vector.load %arg6[%swap3A_611, %swap3A_612] : memref<512x2048xf32, #tpu.memory_space<vmem>>, vector<8x2048xf32>
      tpu.vector_store %arg6[%swap3A_611, %swap3A_612], %slice3A_610 {strides = array<i32>} : memref<512x2048xf32, #tpu.memory_space<vmem>>, vector<8x2048xf32>,
      %mul3A_614 = arith.constant 512 : i32
      %mul3A_615 = arith.muli %arg0, %mul3A_614 : i32
      %sub3A_616 = arith.constant 1536 : i32
      %sub3A_617 = arith.subi %sub3A_616, %mul3A_615 : i32
      %multiple_of3A_618 = tpu.assume_multiple %sub3A_617, 128 : i32
      %get3A_619 = arith.constant 0 : index
      %get3A_620 = arith.index_cast %multiple_of3A_618 : i32 to index
      %get3A_621 = vector.load %arg5[%get3A_619, %get3A_620] : memref<8x4608xf32, #tpu.memory_space<vmem>>, vector<8x2176xf32>
      %slice3A_622 = vector.extract_strided_slice %get3A_621 {offsets = [0, 111], sizes = [8, 2048], strides = [1, 1]} : vector<8x2176xf32> to vector<8x2048xf32>
      %swap3A_623 = arith.constant 400 : index
      %swap3A_624 = arith.constant 0 : index
      %swap3A_625 = vector.load %arg6[%swap3A_623, %swap3A_624] : memref<512x2048xf32, #tpu.memory_space<vmem>>, vector<8x2048xf32>
      tpu.vector_store %arg6[%swap3A_623, %swap3A_624], %slice3A_622 {strides = array<i32>} : memref<512x2048xf32, #tpu.memory_space<vmem>>, vector<8x2048xf32>,
      %mul3A_626 = arith.constant 512 : i32
      %mul3A_627 = arith.muli %arg0, %mul3A_626 : i32
      %sub3A_628 = arith.constant 1536 : i32
      %sub3A_629 = arith.subi %sub3A_628, %mul3A_627 : i32
      %multiple_of3A_630 = tpu.assume_multiple %sub3A_629, 128 : i32
      %get3A_631 = arith.constant 0 : index
      %get3A_632 = arith.index_cast %multiple_of3A_630 : i32 to index
      %get3A_633 = vector.load %arg5[%get3A_631, %get3A_632] : memref<8x4608xf32, #tpu.memory_space<vmem>>, vector<8x2176xf32>
      %slice3A_634 = vector.extract_strided_slice %get3A_633 {offsets = [0, 103], sizes = [8, 2048], strides = [1, 1]} : vector<8x2176xf32> to vector<8x2048xf32>
      %swap3A_635 = arith.constant 408 : index
      %swap3A_636 = arith.constant 0 : index
      %swap3A_637 = vector.load %arg6[%swap3A_635, %swap3A_636] : memref<512x2048xf32, #tpu.memory_space<vmem>>, vector<8x2048xf32>
      tpu.vector_store %arg6[%swap3A_635, %swap3A_636], %slice3A_634 {strides = array<i32>} : memref<512x2048xf32, #tpu.memory_space<vmem>>, vector<8x2048xf32>,
      %mul3A_638 = arith.constant 512 : i32
      %mul3A_639 = arith.muli %arg0, %mul3A_638 : i32
      %sub3A_640 = arith.constant 1536 : i32
      %sub3A_641 = arith.subi %sub3A_640, %mul3A_639 : i32
      %multiple_of3A_642 = tpu.assume_multiple %sub3A_641, 128 : i32
      %get3A_643 = arith.constant 0 : index
      %get3A_644 = arith.index_cast %multiple_of3A_642 : i32 to index
      %get3A_645 = vector.load %arg5[%get3A_643, %get3A_644] : memref<8x4608xf32, #tpu.memory_space<vmem>>, vector<8x2176xf32>
      %slice3A_646 = vector.extract_strided_slice %get3A_645 {offsets = [0, 95], sizes = [8, 2048], strides = [1, 1]} : vector<8x2176xf32> to vector<8x2048xf32>
      %swap3A_647 = arith.constant 416 : index
      %swap3A_648 = arith.constant 0 : index
      %swap3A_649 = vector.load %arg6[%swap3A_647, %swap3A_648] : memref<512x2048xf32, #tpu.memory_space<vmem>>, vector<8x2048xf32>
      tpu.vector_store %arg6[%swap3A_647, %swap3A_648], %slice3A_646 {strides = array<i32>} : memref<512x2048xf32, #tpu.memory_space<vmem>>, vector<8x2048xf32>,
      %mul3A_650 = arith.constant 512 : i32
      %mul3A_651 = arith.muli %arg0, %mul3A_650 : i32
      %sub3A_652 = arith.constant 1536 : i32
      %sub3A_653 = arith.subi %sub3A_652, %mul3A_651 : i32
      %multiple_of3A_654 = tpu.assume_multiple %sub3A_653, 128 : i32
      %get3A_655 = arith.constant 0 : index
      %get3A_656 = arith.index_cast %multiple_of3A_654 : i32 to index
      %get3A_657 = vector.load %arg5[%get3A_655, %get3A_656] : memref<8x4608xf32, #tpu.memory_space<vmem>>, vector<8x2176xf32>
      %slice3A_658 = vector.extract_strided_slice %get3A_657 {offsets = [0, 87], sizes = [8, 2048], strides = [1, 1]} : vector<8x2176xf32> to vector<8x2048xf32>
      %swap3A_659 = arith.constant 424 : index
      %swap3A_660 = arith.constant 0 : index
      %swap3A_661 = vector.load %arg6[%swap3A_659, %swap3A_660] : memref<512x2048xf32, #tpu.memory_space<vmem>>, vector<8x2048xf32>
      tpu.vector_store %arg6[%swap3A_659, %swap3A_660], %slice3A_658 {strides = array<i32>} : memref<512x2048xf32, #tpu.memory_space<vmem>>, vector<8x2048xf32>,
      %mul3A_662 = arith.constant 512 : i32
      %mul3A_663 = arith.muli %arg0, %mul3A_662 : i32
      %sub3A_664 = arith.constant 1536 : i32
      %sub3A_665 = arith.subi %sub3A_664, %mul3A_663 : i32
      %multiple_of3A_666 = tpu.assume_multiple %sub3A_665, 128 : i32
      %get3A_667 = arith.constant 0 : index
      %get3A_668 = arith.index_cast %multiple_of3A_666 : i32 to index
      %get3A_669 = vector.load %arg5[%get3A_667, %get3A_668] : memref<8x4608xf32, #tpu.memory_space<vmem>>, vector<8x2176xf32>
      %slice3A_670 = vector.extract_strided_slice %get3A_669 {offsets = [0, 79], sizes = [8, 2048], strides = [1, 1]} : vector<8x2176xf32> to vector<8x2048xf32>
      %swap3A_671 = arith.constant 432 : index
      %swap3A_672 = arith.constant 0 : index
      %swap3A_673 = vector.load %arg6[%swap3A_671, %swap3A_672] : memref<512x2048xf32, #tpu.memory_space<vmem>>, vector<8x2048xf32>
      tpu.vector_store %arg6[%swap3A_671, %swap3A_672], %slice3A_670 {strides = array<i32>} : memref<512x2048xf32, #tpu.memory_space<vmem>>, vector<8x2048xf32>,
      %mul3A_674 = arith.constant 512 : i32
      %mul3A_675 = arith.muli %arg0, %mul3A_674 : i32
      %sub3A_676 = arith.constant 1536 : i32
      %sub3A_677 = arith.subi %sub3A_676, %mul3A_675 : i32
      %multiple_of3A_678 = tpu.assume_multiple %sub3A_677, 128 : i32
      %get3A_679 = arith.constant 0 : index
      %get3A_680 = arith.index_cast %multiple_of3A_678 : i32 to index
      %get3A_681 = vector.load %arg5[%get3A_679, %get3A_680] : memref<8x4608xf32, #tpu.memory_space<vmem>>, vector<8x2176xf32>
      %slice3A_682 = vector.extract_strided_slice %get3A_681 {offsets = [0, 71], sizes = [8, 2048], strides = [1, 1]} : vector<8x2176xf32> to vector<8x2048xf32>
      %swap3A_683 = arith.constant 440 : index
      %swap3A_684 = arith.constant 0 : index
      %swap3A_685 = vector.load %arg6[%swap3A_683, %swap3A_684] : memref<512x2048xf32, #tpu.memory_space<vmem>>, vector<8x2048xf32>
      tpu.vector_store %arg6[%swap3A_683, %swap3A_684], %slice3A_682 {strides = array<i32>} : memref<512x2048xf32, #tpu.memory_space<vmem>>, vector<8x2048xf32>,
      %mul3A_686 = arith.constant 512 : i32
      %mul3A_687 = arith.muli %arg0, %mul3A_686 : i32
      %sub3A_688 = arith.constant 1536 : i32
      %sub3A_689 = arith.subi %sub3A_688, %mul3A_687 : i32
      %multiple_of3A_690 = tpu.assume_multiple %sub3A_689, 128 : i32
      %get3A_691 = arith.constant 0 : index
      %get3A_692 = arith.index_cast %multiple_of3A_690 : i32 to index
      %get3A_693 = vector.load %arg5[%get3A_691, %get3A_692] : memref<8x4608xf32, #tpu.memory_space<vmem>>, vector<8x2176xf32>
      %slice3A_694 = vector.extract_strided_slice %get3A_693 {offsets = [0, 63], sizes = [8, 2048], strides = [1, 1]} : vector<8x2176xf32> to vector<8x2048xf32>
      %swap3A_695 = arith.constant 448 : index
      %swap3A_696 = arith.constant 0 : index
      %swap3A_697 = vector.load %arg6[%swap3A_695, %swap3A_696] : memref<512x2048xf32, #tpu.memory_space<vmem>>, vector<8x2048xf32>
      tpu.vector_store %arg6[%swap3A_695, %swap3A_696], %slice3A_694 {strides = array<i32>} : memref<512x2048xf32, #tpu.memory_space<vmem>>, vector<8x2048xf32>,
      %mul3A_698 = arith.constant 512 : i32
      %mul3A_699 = arith.muli %arg0, %mul3A_698 : i32
      %sub3A_700 = arith.constant 1536 : i32
      %sub3A_701 = arith.subi %sub3A_700, %mul3A_699 : i32
      %multiple_of3A_702 = tpu.assume_multiple %sub3A_701, 128 : i32
      %get3A_703 = arith.constant 0 : index
      %get3A_704 = arith.index_cast %multiple_of3A_702 : i32 to index
      %get3A_705 = vector.load %arg5[%get3A_703, %get3A_704] : memref<8x4608xf32, #tpu.memory_space<vmem>>, vector<8x2176xf32>
      %slice3A_706 = vector.extract_strided_slice %get3A_705 {offsets = [0, 55], sizes = [8, 2048], strides = [1, 1]} : vector<8x2176xf32> to vector<8x2048xf32>
      %swap3A_707 = arith.constant 456 : index
      %swap3A_708 = arith.constant 0 : index
      %swap3A_709 = vector.load %arg6[%swap3A_707, %swap3A_708] : memref<512x2048xf32, #tpu.memory_space<vmem>>, vector<8x2048xf32>
      tpu.vector_store %arg6[%swap3A_707, %swap3A_708], %slice3A_706 {strides = array<i32>} : memref<512x2048xf32, #tpu.memory_space<vmem>>, vector<8x2048xf32>,
      %mul3A_710 = arith.constant 512 : i32
      %mul3A_711 = arith.muli %arg0, %mul3A_710 : i32
      %sub3A_712 = arith.constant 1536 : i32
      %sub3A_713 = arith.subi %sub3A_712, %mul3A_711 : i32
      %multiple_of3A_714 = tpu.assume_multiple %sub3A_713, 128 : i32
      %get3A_715 = arith.constant 0 : index
      %get3A_716 = arith.index_cast %multiple_of3A_714 : i32 to index
      %get3A_717 = vector.load %arg5[%get3A_715, %get3A_716] : memref<8x4608xf32, #tpu.memory_space<vmem>>, vector<8x2176xf32>
      %slice3A_718 = vector.extract_strided_slice %get3A_717 {offsets = [0, 47], sizes = [8, 2048], strides = [1, 1]} : vector<8x2176xf32> to vector<8x2048xf32>
      %swap3A_719 = arith.constant 464 : index
      %swap3A_720 = arith.constant 0 : index
      %swap3A_721 = vector.load %arg6[%swap3A_719, %swap3A_720] : memref<512x2048xf32, #tpu.memory_space<vmem>>, vector<8x2048xf32>
      tpu.vector_store %arg6[%swap3A_719, %swap3A_720], %slice3A_718 {strides = array<i32>} : memref<512x2048xf32, #tpu.memory_space<vmem>>, vector<8x2048xf32>,
      %mul3A_722 = arith.constant 512 : i32
      %mul3A_723 = arith.muli %arg0, %mul3A_722 : i32
      %sub3A_724 = arith.constant 1536 : i32
      %sub3A_725 = arith.subi %sub3A_724, %mul3A_723 : i32
      %multiple_of3A_726 = tpu.assume_multiple %sub3A_725, 128 : i32
      %get3A_727 = arith.constant 0 : index
      %get3A_728 = arith.index_cast %multiple_of3A_726 : i32 to index
      %get3A_729 = vector.load %arg5[%get3A_727, %get3A_728] : memref<8x4608xf32, #tpu.memory_space<vmem>>, vector<8x2176xf32>
      %slice3A_730 = vector.extract_strided_slice %get3A_729 {offsets = [0, 39], sizes = [8, 2048], strides = [1, 1]} : vector<8x2176xf32> to vector<8x2048xf32>
      %swap3A_731 = arith.constant 472 : index
      %swap3A_732 = arith.constant 0 : index
      %swap3A_733 = vector.load %arg6[%swap3A_731, %swap3A_732] : memref<512x2048xf32, #tpu.memory_space<vmem>>, vector<8x2048xf32>
      tpu.vector_store %arg6[%swap3A_731, %swap3A_732], %slice3A_730 {strides = array<i32>} : memref<512x2048xf32, #tpu.memory_space<vmem>>, vector<8x2048xf32>,
      %mul3A_734 = arith.constant 512 : i32
      %mul3A_735 = arith.muli %arg0, %mul3A_734 : i32
      %sub3A_736 = arith.constant 1536 : i32
      %sub3A_737 = arith.subi %sub3A_736, %mul3A_735 : i32
      %multiple_of3A_738 = tpu.assume_multiple %sub3A_737, 128 : i32
      %get3A_739 = arith.constant 0 : index
      %get3A_740 = arith.index_cast %multiple_of3A_738 : i32 to index
      %get3A_741 = vector.load %arg5[%get3A_739, %get3A_740] : memref<8x4608xf32, #tpu.memory_space<vmem>>, vector<8x2176xf32>
      %slice3A_742 = vector.extract_strided_slice %get3A_741 {offsets = [0, 31], sizes = [8, 2048], strides = [1, 1]} : vector<8x2176xf32> to vector<8x2048xf32>
      %swap3A_743 = arith.constant 480 : index
      %swap3A_744 = arith.constant 0 : index
      %swap3A_745 = vector.load %arg6[%swap3A_743, %swap3A_744] : memref<512x2048xf32, #tpu.memory_space<vmem>>, vector<8x2048xf32>
      tpu.vector_store %arg6[%swap3A_743, %swap3A_744], %slice3A_742 {strides = array<i32>} : memref<512x2048xf32, #tpu.memory_space<vmem>>, vector<8x2048xf32>,
      %mul3A_746 = arith.constant 512 : i32
      %mul3A_747 = arith.muli %arg0, %mul3A_746 : i32
      %sub3A_748 = arith.constant 1536 : i32
      %sub3A_749 = arith.subi %sub3A_748, %mul3A_747 : i32
      %multiple_of3A_750 = tpu.assume_multiple %sub3A_749, 128 : i32
      %get3A_751 = arith.constant 0 : index
      %get3A_752 = arith.index_cast %multiple_of3A_750 : i32 to index
      %get3A_753 = vector.load %arg5[%get3A_751, %get3A_752] : memref<8x4608xf32, #tpu.memory_space<vmem>>, vector<8x2176xf32>
      %slice3A_754 = vector.extract_strided_slice %get3A_753 {offsets = [0, 23], sizes = [8, 2048], strides = [1, 1]} : vector<8x2176xf32> to vector<8x2048xf32>
      %swap3A_755 = arith.constant 488 : index
      %swap3A_756 = arith.constant 0 : index
      %swap3A_757 = vector.load %arg6[%swap3A_755, %swap3A_756] : memref<512x2048xf32, #tpu.memory_space<vmem>>, vector<8x2048xf32>
      tpu.vector_store %arg6[%swap3A_755, %swap3A_756], %slice3A_754 {strides = array<i32>} : memref<512x2048xf32, #tpu.memory_space<vmem>>, vector<8x2048xf32>,
      %mul3A_758 = arith.constant 512 : i32
      %mul3A_759 = arith.muli %arg0, %mul3A_758 : i32
      %sub3A_760 = arith.constant 1536 : i32
      %sub3A_761 = arith.subi %sub3A_760, %mul3A_759 : i32
      %multiple_of3A_762 = tpu.assume_multiple %sub3A_761, 128 : i32
      %get3A_763 = arith.constant 0 : index
      %get3A_764 = arith.index_cast %multiple_of3A_762 : i32 to index
      %get3A_765 = vector.load %arg5[%get3A_763, %get3A_764] : memref<8x4608xf32, #tpu.memory_space<vmem>>, vector<8x2176xf32>
      %slice3A_766 = vector.extract_strided_slice %get3A_765 {offsets = [0, 15], sizes = [8, 2048], strides = [1, 1]} : vector<8x2176xf32> to vector<8x2048xf32>
      %swap3A_767 = arith.constant 496 : index
      %swap3A_768 = arith.constant 0 : index
      %swap3A_769 = vector.load %arg6[%swap3A_767, %swap3A_768] : memref<512x2048xf32, #tpu.memory_space<vmem>>, vector<8x2048xf32>
      tpu.vector_store %arg6[%swap3A_767, %swap3A_768], %slice3A_766 {strides = array<i32>} : memref<512x2048xf32, #tpu.memory_space<vmem>>, vector<8x2048xf32>,
      %mul3A_770 = arith.constant 512 : i32
      %mul3A_771 = arith.muli %arg0, %mul3A_770 : i32
      %sub3A_772 = arith.constant 1536 : i32
      %sub3A_773 = arith.subi %sub3A_772, %mul3A_771 : i32
      %multiple_of3A_774 = tpu.assume_multiple %sub3A_773, 128 : i32
      %get3A_775 = arith.constant 0 : index
      %get3A_776 = arith.index_cast %multiple_of3A_774 : i32 to index
      %get3A_777 = vector.load %arg5[%get3A_775, %get3A_776] : memref<8x4608xf32, #tpu.memory_space<vmem>>, vector<8x2176xf32>
      %slice3A_778 = vector.extract_strided_slice %get3A_777 {offsets = [0, 7], sizes = [8, 2048], strides = [1, 1]} : vector<8x2176xf32> to vector<8x2048xf32>
      %swap3A_779 = arith.constant 504 : index
      %swap3A_780 = arith.constant 0 : index
      %swap3A_781 = vector.load %arg6[%swap3A_779, %swap3A_780] : memref<512x2048xf32, #tpu.memory_space<vmem>>, vector<8x2048xf32>
      tpu.vector_store %arg6[%swap3A_779, %swap3A_780], %slice3A_778 {strides = array<i32>} : memref<512x2048xf32, #tpu.memory_space<vmem>>, vector<8x2048xf32>,
    } else {
    }
    %get3A = arith.constant 0 : index
    %get3A_9 = arith.constant 0 : index
    %get3A_10 = arith.constant 0 : index
    %get3A_11 = vector.load %arg2[%get3A, %get3A_9, %get3A_10] : memref<1x512x2048xf32, #tpu.memory_space<vmem>>, vector<1x512x2048xf32>
    %get3A_12 = arith.constant 0 : index
    %get3A_13 = arith.constant 0 : index
    %get3A_14 = vector.load %arg6[%get3A_12, %get3A_13] : memref<512x2048xf32, #tpu.memory_space<vmem>>, vector<512x2048xf32>
    %broadcast_in_dim3A = vector.shape_cast %get3A_14 : vector<512x2048xf32> to vector<1x512x2048xf32>
    %add3A = arith.addf %get3A_11, %broadcast_in_dim3A : vector<1x512x2048xf32>
    %swap3A = arith.constant 0 : index
    %swap3A_15 = arith.constant 0 : index
    %swap3A_16 = arith.constant 0 : index
    %swap3A_17 = vector.load %arg4[%swap3A, %swap3A_15, %swap3A_16] : memref<1x512x2048xf32, #tpu.memory_space<vmem>>, vector<1x512x2048xf32>
    tpu.vector_store %arg4[%swap3A, %swap3A_15, %swap3A_16], %add3A {strides = array<i32>} : memref<1x512x2048xf32, #tpu.memory_space<vmem>>, vector<1x512x2048xf32>,
    return
  }
  func.func @transform_0(%arg0: i32, %arg1: i32) -> (i32, i32, i32) {
    %c0_i32 = arith.constant 0 : i32
    %c0_i32_0 = arith.constant 0 : i32
    return %arg1, %arg0, %c0_i32 : i32, i32, i32
  }
  func.func @transform_1(%arg0: i32, %arg1: i32) -> (i32, i32) {
    %c0_i32 = arith.constant 0 : i32
    %c0_i32_0 = arith.constant 0 : i32
    %c0_i32_1 = arith.constant 0 : i32
    return %c0_i32, %c0_i32_0 : i32, i32
  }
  func.func @transform_2(%arg0: i32, %arg1: i32) -> (i32, i32, i32) {
    %c0_i32 = arith.constant 0 : i32
    %c0_i32_0 = arith.constant 0 : i32
    return %arg1, %arg0, %c0_i32 : i32, i32, i32
  }
}

</mosaic_0001>

<sc_bundles>
// kernel: kernel.5.cloned.1.call-start
scs
__scs_entry_jumppad:
0x0: {  	(pc) =	sbr.rel $0x88, $3  }
0x1: {  	(tag) =	ssettag $0x0;
	lr =	simm.s32 $0x1  }
0x2: {  	[smem:$0x3F9F] =	sst lr;
	_ =	strace $0xD0000000  }
0x3: {  	_ = 	snop  }
0x4: {  	_ = 	snop  }
0x5: {  	_ = 	snop  }
0x6: {  	_ = 	snop  }
0x7: {  	_ = 	snop  }
__scs_overlays_trampoline_lowered:
0x8: {  	[smem:$0x3FAE] =	sst s0  }
0x9: {  	[smem:$0x3FAF] =	sst s1  }
0xa: {  	[smem:$0x3FB0] =	sst s2  }
0xb: {  	[smem:$0x3FB1] =	sst s3  }
0xc: {  	[smem:$0x3FB2] =	sst s4  }
0xd: {  	[smem:$0x3FB3] =	sst s5  }
0xe: {  	[smem:$0x3FB4] =	sst s6  }
0xf: {  	[smem:$0x3FB5] =	sst s7  }
0x10: {  	[smem:$0x3FB6] =	sst s8  }
0x11: {  	[smem:$0x3FB7] =	sst s9;
	s0 =	simm.s32 @!p0 $0x0  }
0x12: {  	s1 =	sld [smem:$0x3F9D];
	s0 =	simm.s32 @p0 $0x1  }
0x13: {  	[smem:$0x3FB8] =	sst s0;
	s0 =	simm.s32 @!p1 $0x0  }
0x14: {  	s2 =	sld [smem:$0x3F9C];
	s0 =	simm.s32 @p1 $0x1  }
0x15: {  	[smem:$0x3FB9] =	sst s0;
	s0 =	simm.s32 @!p2 $0x0  }
0x16: {  	s3 =	sld [smem:$0x3FDB];
	s0 =	simm.s32 @p2 $0x1  }
0x17: {  	s4 =	simm.s32 $0x1BF5;
	[smem:$0x3FBB] =	sst s0  }
0x18: {  	s0 =	sld [smem:$0x3F9E];
	_ =	swait.ge [sflag:s4], $0x0  }
0x19: {  	s7 =	sld [smem:$0x3F9F]  }
0x1a: {  	s8 =	sadd.s32 $0xFFFFE003, lr  }
0x1b: {  	s9 =	sadd.s32 $0xFFFFFEF7, lr;
	s5 =	simm.s32 $0xFFFFFFFF;
	p2 =	slt.u32 s8, $0xFFFFF086  }
0x1c: {  	p1 =	slt.u32 s9, $0xF7A;
	s5 =	simm.s32 @!p2 $0x0  }
0x1d: {  	s5 =	simm.s32 @p1 $0x1;
	p0 =	seq.s32 s7, s2  }
0x1e: {  	s7 =	smul.u32 @!p0 $0xF7A, s2;
	p2 =	seq.s32 @!p0 s5, $0x0  }
0x1f: {  	s9 =	smul.u32 $0xF7A, s1;
	s8 =	simm.s32 @!p0 $0x1BF5;
	p2 =	por !p2, p0  }
0x20: {  	[sflag:s8] =	ssyncset.s32 @!p0 $0xFFFFF086;
	s6 =	sadd.s32 @!p0 s3, s7;
	s7 =	simm.s32 @!p0 $0x108  }
0x21: {  	s3 =	sadd.s32 s3, s9;
	s6 =	sadd.s32 @!p0 $0x88, s6;
	s7 =	simm.s32 @p2 $0x1082  }
0x22: {  	[simem:s7], [sflag:s8] =	dma.local @!p0 [hbm:s6], $0xF7A  }
0x23: {  	s9 =	sor.u32 $0xD0000000, s2;
	s6 =	simm.s32 $0x108;
	_ =	swait.ge @!p0 [sflag:s8], $0x0  }
0x24: {  	s3 =	sadd.s32 $0x88, s3;
	s6 =	simm.s32 @!p1 $0x1082;
	[sflag:s4] =	ssyncset.s32 $0xFFFFF086  }
0x25: {  	[simem:s6], [sflag:s4] =	dma.local [hbm:s3], $0xF7A  }
0x26: {  	[smem:$0x3F9F] =	sst s1;
	(tag) =	ssettag s2;
	_ =	strace s9  }
0x27: {  	s1 =	sld [smem:$0x3FAF]  }
0x28: {  	s2 =	sld [smem:$0x3FB0]  }
0x29: {  	s4 =	sld [smem:$0x3FB2]  }
0x2a: {  	p0 =	seq.s32 s5, $0x0;
	s5 =	sld [smem:$0x3FB3]  }
0x2b: {  	s6 =	sld [smem:$0x3FB4]  }
0x2c: {  	s7 =	sld [smem:$0x3FB5]  }
0x2d: {  	s3 =	simm.s32 $0x108;
	s8 =	sld [smem:$0x3FB6]  }
0x2e: {  	s3 =	simm.s32 @!p0 $0x1082;
	s9 =	sld [smem:$0x3FB7]  }
0x2f: {  	lr =	sadd.s32 s0, s3;
	s0 =	sld [smem:$0x3FAE]  }
0x30: {  	s3 =	sld [smem:$0x3FB1]  }
0x31: {  	[smem:$0x3FBA] =	sst s10  }
0x32: {  	s10 =	sld [smem:$0x3FB8];
	_ =	sdelay $0x3  }
0x33: {  	p0 =	seq.s32 s10, $0x1;
	s10 =	sld [smem:$0x3FBA];
	_ =	sdelay $0x3  }
0x34: {  	[smem:$0x3FBA] =	sst s10  }
0x35: {  	s10 =	sld [smem:$0x3FB9];
	_ =	sdelay $0x3  }
0x36: {  	p1 =	seq.s32 s10, $0x1;
	s10 =	sld [smem:$0x3FBA];
	_ =	sdelay $0x3  }
0x37: {  	[smem:$0x3FBA] =	sst s10  }
0x38: {  	s10 =	sld [smem:$0x3FBB]  }
0x39: {  	_ = 	snop;
	(pc) =	sbr.ind lr, $3  }
0x3a: {  	_ = 	snop  }
0x3b: {  	_ = 	snop  }
0x3c: {  	p2 =	seq.s32 s10, $0x1;
	s10 =	sld [smem:$0x3FBA]  }
0x3d: {  	_ =	shalt  }
0x3e: {  	_ =	shalt  }
0x3f: {  	_ =	shalt  }
0x40: {  	_ =	shalt  }
0x41: {  	_ =	shalt  }
0x42: {  	_ =	shalt  }
0x43: {  	_ =	shalt  }
0x44: {  	_ =	shalt  }
0x45: {  	_ =	shalt  }
0x46: {  	_ =	shalt  }
0x47: {  	_ =	shalt  }
0x48: {  	_ =	shalt  }
0x49: {  	_ =	shalt  }
0x4a: {  	_ =	shalt  }
0x4b: {  	_ =	shalt  }
0x4c: {  	_ =	shalt  }
0x4d: {  	_ =	shalt  }
0x4e: {  	_ =	shalt  }
0x4f: {  	_ =	shalt  }
0x50: {  	_ =	shalt  }
0x51: {  	_ =	shalt  }
0x52: {  	_ =	shalt  }
0x53: {  	_ =	shalt  }
0x54: {  	_ =	shalt  }
0x55: {  	_ =	shalt  }
0x56: {  	_ =	shalt  }
0x57: {  	_ =	shalt  }
0x58: {  	_ =	shalt  }
0x59: {  	_ =	shalt  }
0x5a: {  	_ =	shalt  }
0x5b: {  	_ =	shalt  }
0x5c: {  	_ =	shalt  }
0x5d: {  	_ =	shalt  }
0x5e: {  	_ =	shalt  }
0x5f: {  	_ =	shalt  }
0x60: {  	_ =	shalt  }
0x61: {  	_ =	shalt  }
0x62: {  	_ =	shalt  }
0x63: {  	_ =	shalt  }
0x64: {  	_ =	shalt  }
0x65: {  	_ =	shalt  }
0x66: {  	_ =	shalt  }
0x67: {  	_ =	shalt  }
0x68: {  	_ =	shalt  }
0x69: {  	_ =	shalt  }
0x6a: {  	_ =	shalt  }
0x6b: {  	_ =	shalt  }
0x6c: {  	_ =	shalt  }
0x6d: {  	_ =	shalt  }
0x6e: {  	_ =	shalt  }
0x6f: {  	_ =	shalt  }
0x70: {  	_ =	shalt  }
0x71: {  	_ =	shalt  }
0x72: {  	_ =	shalt  }
0x73: {  	_ =	shalt  }
0x74: {  	_ =	shalt  }
0x75: {  	_ =	shalt  }
0x76: {  	_ =	shalt  }
0x77: {  	_ =	shalt  }
0x78: {  	_ =	shalt  }
0x79: {  	_ =	shalt  }
0x7a: {  	_ =	shalt  }
0x7b: {  	_ =	shalt  }
0x7c: {  	_ =	shalt  }
0x7d: {  	_ =	shalt  }
0x7e: {  	_ =	shalt  }
0x7f: {  	_ =	shalt  }
0x80: {  	_ =	shalt  }
0x81: {  	_ =	shalt  }
0x82: {  	_ =	shalt  }
0x83: {  	_ =	shalt  }
0x84: {  	_ =	shalt  }
0x85: {  	_ =	shalt  }
0x86: {  	_ =	shalt  }
0x87: {  	_ =	shalt  }
.Lfunc_end0:
.L_simem_size_0:
called_computation_lowered:
.L_overlay_start_0:
0x88: {  	s2 =	sld [smem:$0x3FD9]  }
0x89: {  	s3 =	sld [smem:$0x3FFE];
	_ =	sdelay $0x1  }
0x8a: {  	s1 =	srdreg.scid  }
0x8b: {  	s0 =	sand.u32 $0x1, s1  }
0x8c: {  	s17 =	sshll.u32 s0, $0xA;
	s2 =	sadd.s32 s3, s2  }
0x8d: {  	s2 =	sadd.s32 s2, s17  }
0x8e: {  	[smem:$0x3FC6] =	sst s2  }
0x8f: {  	_ = 	snop  }
0x90: {  	s2 =	sld [smem:$0x3FC8]  }
0x91: {  	s18 =	sld [smem:$0x3FD0];
	(tm) =	ssettm $0x1  }
0x92: {  	s4 =	sld [smem:$0x3FFB];
	_ =	sdelay $0x3  }
0x93: {  	_ =	strace s4  }
0x94: {  	s4 =	sld [smem:$0x3FFC];
	_ =	sdelay $0x3  }
0x95: {  	_ =	strace s4  }
0x96: {  	s4 =	sld [smem:$0x3FFD];
	_ =	sdelay $0x3  }
0x97: {  	_ =	strace s4  }
0x98: {  	_ =	strace $0x8FFFFFFF  }
0x99: {  	s19 =	sld [smem:$0x3FDB];
	_ =	sdelay $0x1  }
0x9a: {  	s5 =	simm.s32 $_scs_section_size  }
0x9b: {  	s6 =	simm.s32 $_size__tile_overlayer_lowered;
	s7 =	simm.s32 $_tile_overlayer_lowered  }
0x9c: {  	s22 =	simm.s32 $0x1BFF;
	s21 =	sshll.u32 s7, $0x1;
	s4 =	sadd.s32 s5, s19  }
0x9d: {  	s8 =	simm.s32 $0x0;
	s20 =	sshll.u32 s6, $0x1;
	s6 =	sadd.s32 s21, s4  }
0x9e: {  	[timem:s8], [sflag:s22] =	dma.local [hbm:s6], s20  }
0x9f: {  	_ =	swait.ge [sflag:s22], s20  }
0xa0: {  	s5 =	ssub.s32 $0x0, s20;
	[sflag:s22] =	ssyncset.done $0x0  }
0xa1: {  	[sflag:s22] =	ssyncadd.s32 s5;
	_ =	sdelay $0x1  }
0xa2: {  	s23 =	simm.s32 $0x1B8B  }
0xa3: {  	_ =	swait.ge [sflag:s23], $0x1  }
0xa4: {  	[sflag:s23] =	ssyncset.done $0x0  }
0xa5: {  	s25 =	simm.s32 $0x1B8E;
	s24 =	sld [smem:$0x3FFE];
	[sflag:s23] =	ssyncadd.s32 $0xFFFFFFFF  }
0xa6: {  	s26 =	simm.s32 $execute0_lowered;
	[smem:$0x3FD2] =	sst s25  }
0xa7: {  	s6 =	sshll.u32 s26, $0x1;
	_ =	strace $0x80000046;
	[dreg:$0x1] =	wrdreg $0xFFFFFFFF  }
0xa8: {  	s28 =	simm.s32 $_size_execute0_lowered;
	s4 =	sadd.s32 s4, s6;
	[dreg:$0x0] =	wrdreg $0x0  }
0xa9: {  	s6 =	sshll.u32 s28, $0x1;
	[dreg:$0x2] =	wrdreg s4  }
0xaa: {  	[dreg:$0x3] =	wrdreg s6  }
0xab: {  	[dreg:$0x4] =	wrdreg $0xC0  }
0xac: {  	_ =	task [dreg:s8], $0x5FFFF  }
0xad: {  	[dreg:$0x1] =	wrdreg $0xFFFFFFFF  }
0xae: {  	[dreg:$0x0] =	wrdreg $0x60  }
0xaf: {  	[dreg:$0x2] =	wrdreg s2  }
0xb0: {  	[dreg:$0x3] =	wrdreg s18  }
0xb1: {  	[dreg:$0x4] =	wrdreg s24  }
0xb2: {  	[dreg:$0x5] =	wrdreg $0x9  }
0xb3: {  	_ =	task.clear_ibuf [dreg:s8], $0x6FFFF;
	_ =	strace $0x90000046  }
0xb4: {  	s29 =	simm.s32 $0x9;
	_ =	strace $0x80000048  }
0xb5: {  	_ =	swait.ge [sflag:s29], $0x1  }
0xb6: {  	[sflag:s29] =	ssyncadd.s32 $0xFFFFFFFF  }
0xb7: {  	_ =	strace $0x90000048  }
0xb8: {  	_ =	sfence  }
0xb9: {  	s30 =	sld [smem:$0x0];
	_ =	sdelay $0x2  }
0xba: {  	s31 =	sshll.u32 s1, $0xD;
	s1 =	sshrl.u32 s1, $0x2  }
0xbb: {  	s3 =	sand.u32 $0x4000, s31;
	s1 =	sadd.s32 s1, s30  }
0xbc: {  	s0 =	sor.u32 s3, s0;
	s1 =	sshll.u32 s1, $0x11  }
0xbd: {  	s0 =	sor.u32 s1, s0  }
0xbe: {  	s0 =	sadd.s32 $0x8F2B, s0  }
0xbf: {  	[sflag:s0] =	ssyncadd.remote.s32 $0x1  }
0xc0: {  	_ =	sfence.sel $0xFFFF  }
0xc1: {  	[dreg:$0x0] =	wrdreg $0xFFFFFFFF;
	(pc) =	sbr.abs _section_cstart, $3  }
0xc2: {  	[dreg:$0x1] =	wrdreg $0xFFFFFFFF  }
0xc3: {  	_ =	task.clear_ibuf [dreg:s8], $0x2FFFF;
	_ =	strace $0x9FFFFFFF  }
0xc4: {  	(tm) =	ssettm $0x7FFFFFFF  }
0xc5: {  	_ =	shalt  }
tec
execute0_lowered:
.L_overlay_start_1:
0x0: {  	(tag) =	ssettag $0x1  }
0x1: {  	s6 =	rddreg [dreg:$0x0]  }
0x2: {  	s4 =	rddreg [dreg:$0x1]  }
0x3: {  	s5 =	rddreg [dreg:$0x2]  }
0x4: {  	s0 =	rddreg [dreg:$0x3]  }
0x5: {  	s2 =	simm.s32 $0x0;
	s3 =	srdreg.scid;
	s1 =	stileid.u32  }
0x6: {  	[smem:$0x7FF] =	sst s2;
	s9 =	sand.u32 $0x1, s3;
	s30 =	sshll.u32 s1, $0x1  }
0x7: {  	s3 =	simm.s32 $0x1;
	_ =	strace $0x80000047;
	s7 =	sor.u32 s9, s30  }
0x8: {  	[tilespmem:s2], [sflag:$0x1] =	stream.linear.gather [hbm4b:s6+s2], $0x80, $0x38;
	[tilespmem:$0x280] =	vst v63  }
0x9: {  	s10 =	smul.u32 $0x12, s7;
	_ =	swait.ge [sflag:s3], $0x80  }
0xa: {  	[sflag:s3] =	ssyncset.done $0x0  }
0xb: {  	s8 =	simm.s32 $0x80;
	s7 =	sadd.s32 s4, s10;
	[sflag:s3] =	ssyncadd.s32 $0xFFFFFF80  }
0xc: {  	[tilespmem:s8], [sflag:$0x1] =	stream.linear.gather [hbm4b:s7+s2], $0x90, $0x38;
	[tilespmem:$0x280] =	vst v63  }
0xd: {  	_ =	swait.ge [sflag:s3], $0x90  }
0xe: {  	[sflag:s3] =	ssyncset.done $0x0  }
0xf: {  	[sflag:s3] =	ssyncadd.s32 $0xFFFFFF70  }
0x10: {  	v8 =	vld [tilespmem:$0x100]  }
0x11: {  	v7 =	vld [tilespmem:$0xF0]  }
0x12: {  	s31 =	ssub.s32 $0x2, s9;
	v10 =	vld [tilespmem:$0x90]  }
0x13: {  	s9 =	sshrl.u32 s31, $0x1;
	v0 =	vld [tilespmem:$0x80]  }
0x14: {  	s4 =	ssub.s32 s31, s9;
	v2 =	vld [tilespmem:$0xE0]  }
0x15: {  	s9 =	smax.u32 s4, $0x1;
	v1 =	vld [tilespmem:$0x0]  }
0x16: {  	p0 =	sne.s32 s9, $0x1;
	v5 =	vld [tilespmem:$0xC0];
	vm3 =	vlt.s32 v8, $0xF;
	v9 =	vadd.s32 $0xFFFFFFF0, v8;
	vm0 =	vlt.s32 v8, $0x10  }
.Ltmp0:
0x17: {  	v4 =	vld [tilespmem:$0xD0];
	vm2 =	vlt.s32 v7, $0xF;
	v15 =	vadd.s32 $0xFFFFFFF0, v7;
	v14 =	vadd.s32 $0xFFFFFFF0, v10;
	(pc) =	sbr.rel @!p0 .LBB2_2-.Ltmp0, $4  }
0x18: {  	v11 =	vld [tilespmem:$0xA0];
	vm1 =	vlt.s32 v10, $0x10;
	vm5 =	vlt.s32 v0, $0xF;
	v3 =	vadd.s32 $0xFFFFFFF0, v0  }
0x19: {  	vm7 =	vlt.s32 v2, $0xF;
	v6 =	vadd.s32 $0xFFFFFFF0, v2;
	vm4 =	vgt.s32 v9, $0x0  }
0x1a: {  	vm6 =	vgt.s32 v15, $0x0;
	v16 =	vnsel vm2, $0xF, v7;
	vm2 =	vgt.s32 v3, $0x0  }
0x1b: {  	s4 =	sadd.s32 s5, s10;
	s5 =	simm.s32 $0x180;
	s9 =	sadd.s32 $0xFFFFFFFF, s9;
	v13 =	vld [tilespmem:$0xB0];
	v12 =	vnsel vm7, $0xF, v2;
	v3 =	vnsel vm2, $0x0, v3;
	vm2 =	vgt.s32 v6, $0x0  }
.LBB2_1:
0x1c: {  	p0 =	sne.s32 s9, $0x1;
	s9 =	sadd.s32 $0xFFFFFFFF, s9;
	vm7 =	vlt.s32 v5, $0xF;
	v16 =	vperm.xlane v1, v16;
	v15 =	vnsel vm6, $0x0, v15  }
0x1d: {  	vm6 =	vgt.s32 v14, $0x0;
	vm9 =	vlt.s32 v4, $0xF;
	vm8 =	vlt.s32 v11, $0xF  }
0x1e: {  	v17 =	vnsel vm5, $0xF, v0;
	vm5 =	vlt.s32 v10, $0xF;
	v18 =	vnsel vm9, $0xF, v4  }
0x1f: {  	v10 =	vnsel vm5, $0xF, v10;
	v14 =	vnsel vm6, $0x0, v14;
	v19 =	vnsel vm8, $0xF, v11  }
0x20: {  	v10 =	vperm.xlane v1, v10;
	v19 =	vperm.xlane v1, v19;
	vm6 =	vlt.s32 v13, $0xF  }
0x21: {  	v20 =	vadd.s32 $0xFFFFFFF0, v4;
	v9 =	vnsel vm4, $0x0, v9;
	vm5 =	vlt.s32 v11, $0x10  }
0x22: {  	v22 =	vadd.s32 $0xFFFFFFF0, v5;
	v8 =	vnsel vm3, $0xF, v8;
	vm4 =	vgt.s32 v20, $0x0;
	v21 =	vld [tilespmem:$0x10]  }
0x23: {  	v23 =	vnsel vm7, $0xF, v5;
	vm7 =	vlt.s32 v7, $0x10;
	vm3 =	vlt.s32 v13, $0x10  }
0x24: {  	v7 =	vadd.s32 $0xFFFFFFF0, v11;
	v20 =	vnsel vm4, $0x0, v20;
	v11 =	vnsel vm6, $0xF, v13  }
0x25: {  	vm4 =	vgt.s32 v22, $0x0;
	v13 =	vadd.s32 $0xFFFFFFF0, v13;
	v11 =	vperm.xlane v1, v11  }
0x26: {  	v12 =	vperm.xlane v1, v12;
	v22 =	vnsel vm4, $0x0, v22;
	vm6 =	vgt.s32 v7, $0x0  }
0x27: {  	vm4 =	vgt.s32 v13, $0x0;
	v22 =	vperm.xlane v21, v22;
	v15 =	vperm.xlane v21, v15  }
0x28: {  	v23 =	vperm.xlane v1, v23;
	v13 =	vnsel vm4, $0x0, v13;
	v20 =	vperm.xlane v21, v20  }
0x29: {  	vm4 =	vlt.s32 v5, $0x10;
	v13 =	vperm.xlane v21, v13;
	v5 =	vsel vm7, v16, v15  }
0x2a: {  	v7 =	vnsel vm6, $0x0, v7;
	v15 =	vsel vm4, v23, v22;
	v16 =	vperm.xlane v1, v18;
	[tilespmem:$0x1F0] =	vst v5  }
0x2b: {  	vm4 =	vlt.s32 v4, $0x10;
	v4 =	vnsel vm2, $0x0, v6;
	v5 =	vperm.xlane v21, v7;
	[tilespmem:$0x1C0] =	vst v15  }
0x2c: {  	v6 =	vsel vm3, v11, v13;
	v4 =	vperm.xlane v21, v4;
	v7 =	vsel vm4, v16, v20  }
0x2d: {  	v11 =	vperm.xlane v21, v14;
	vm2 =	vlt.s32 v2, $0x10;
	v5 =	vsel vm5, v19, v5;
	[tilespmem:$0x1B0] =	vst v6  }
0x2e: {  	v2 =	vsel vm2, v12, v4;
	v4 =	vperm.xlane v1, v8;
	[tilespmem:$0x1A0] =	vst v5;
	v5 =	vperm.xlane v21, v9  }
0x2f: {  	v3 =	vperm.xlane v21, v3;
	v1 =	vperm.xlane v1, v17;
	v6 =	vsel vm1, v10, v11;
	[tilespmem:$0x1D0] =	vst v7  }
0x30: {  	vm1 =	vlt.s32 v0, $0x10;
	[tilespmem:$0x190] =	vst v6;
	v0 =	vsel vm0, v4, v5  }
0x31: {  	v1 =	vsel vm1, v1, v3;
	[tilespmem:$0x200] =	vst v0  }
0x32: {  	[tilespmem:$0x1E0] =	vst v2  }
0x33: {  	[tilespmem:$0x180] =	vst v1  }
0x34: {  	[hbm4b:s4+s2] =	stream.linear.scatter [tilespmem:s5], [sflag:$0x1], $0x90, $0x38;
	[tilespmem:$0x280] =	vst v63  }
0x35: {  	_ =	swait.ge [sflag:s3], $0x90  }
0x36: {  	[sflag:s3] =	ssyncset.done $0x0  }
0x37: {  	[sflag:s3] =	ssyncadd.s32 $0xFFFFFF70  }
0x38: {  	[tilespmem:s2], [sflag:$0x1] =	stream.linear.gather [hbm4b:s6+s2], $0x80, $0x38;
	[tilespmem:$0x280] =	vst v63  }
0x39: {  	_ =	swait.ge [sflag:s3], $0x80  }
0x3a: {  	[sflag:s3] =	ssyncset.done $0x0  }
0x3b: {  	[sflag:s3] =	ssyncadd.s32 $0xFFFFFF80  }
0x3c: {  	[tilespmem:s8], [sflag:$0x1] =	stream.linear.gather [hbm4b:s7+s2], $0x90, $0x38;
	[tilespmem:$0x280] =	vst v63  }
0x3d: {  	_ =	swait.ge [sflag:s3], $0x90  }
0x3e: {  	[sflag:s3] =	ssyncset.done $0x0  }
0x3f: {  	[sflag:s3] =	ssyncadd.s32 $0xFFFFFF70  }
0x40: {  	v1 =	vld [tilespmem:$0x0]  }
0x41: {  	v8 =	vld [tilespmem:$0x100]  }
0x42: {  	v7 =	vld [tilespmem:$0xF0]  }
0x43: {  	v10 =	vld [tilespmem:$0x90]  }
0x44: {  	v0 =	vld [tilespmem:$0x80]  }
0x45: {  	v2 =	vld [tilespmem:$0xE0]  }
0x46: {  	v5 =	vld [tilespmem:$0xC0];
	vm3 =	vlt.s32 v8, $0xF;
	v9 =	vadd.s32 $0xFFFFFFF0, v8;
	vm0 =	vlt.s32 v8, $0x10  }
.Ltmp1:
0x47: {  	v4 =	vld [tilespmem:$0xD0];
	vm2 =	vlt.s32 v7, $0xF;
	v15 =	vadd.s32 $0xFFFFFFF0, v7;
	vm4 =	vgt.s32 v9, $0x0;
	(pc) =	sbr.rel @p0 .LBB2_1-.Ltmp1, $4  }
0x48: {  	v14 =	vadd.s32 $0xFFFFFFF0, v10;
	vm1 =	vlt.s32 v10, $0x10;
	v11 =	vld [tilespmem:$0xA0];
	vm6 =	vgt.s32 v15, $0x0  }
0x49: {  	v16 =	vnsel vm2, $0xF, v7;
	vm5 =	vlt.s32 v0, $0xF;
	v3 =	vadd.s32 $0xFFFFFFF0, v0  }
0x4a: {  	vm2 =	vgt.s32 v3, $0x0;
	vm7 =	vlt.s32 v2, $0xF;
	v6 =	vadd.s32 $0xFFFFFFF0, v2  }
0x4b: {  	v3 =	vnsel vm2, $0x0, v3;
	v13 =	vld [tilespmem:$0xB0];
	v12 =	vnsel vm7, $0xF, v2;
	vm2 =	vgt.s32 v6, $0x0  }
.LBB2_2:
0x4c: {  	vm7 =	vlt.s32 v5, $0xF;
	v16 =	vperm.xlane v1, v16;
	v15 =	vnsel vm6, $0x0, v15  }
0x4d: {  	vm15 =	vgt.s32 v14, $0x0;
	vm9 =	vlt.s32 v4, $0xF;
	v17 =	vnsel vm5, $0xF, v0  }
0x4e: {  	vm11 =	vlt.s32 v10, $0xF;
	v20 =	vadd.s32 $0xFFFFFFF0, v4;
	v9 =	vnsel vm4, $0x0, v9  }
0x4f: {  	v22 =	vadd.s32 $0xFFFFFFF0, v5;
	v8 =	vnsel vm3, $0xF, v8;
	v6 =	vnsel vm2, $0x0, v6  }
0x50: {  	vm8 =	vlt.s32 v11, $0xF;
	v18 =	vnsel vm9, $0xF, v4;
	v10 =	vnsel vm11, $0xF, v10  }
0x51: {  	v14 =	vnsel vm15, $0x0, v14;
	vm5 =	vlt.s32 v11, $0x10;
	vm13 =	vgt.s32 v20, $0x0  }
0x52: {  	v21 =	vld [tilespmem:$0x10];
	v23 =	vnsel vm7, $0xF, v5;
	vm15 =	vlt.s32 v7, $0x10;
	v47 =	vadd.s32 $0xFFFFFFF0, v11  }
0x53: {  	vm9 =	vgt.s32 v22, $0x0;
	v58 =	vperm.xlane v1, v8;
	v61 =	vperm.xlane v1, v17  }
0x54: {  	v19 =	vnsel vm8, $0xF, v11;
	v10 =	vperm.xlane v1, v10;
	v20 =	vnsel vm13, $0x0, v20  }
0x55: {  	v22 =	vnsel vm9, $0x0, v22;
	vm11 =	vgt.s32 v47, $0x0;
	v23 =	vperm.xlane v1, v23  }
0x56: {  	v54 =	vperm.xlane v1, v18;
	vm13 =	vlt.s32 v4, $0x10;
	v19 =	vperm.xlane v1, v19  }
0x57: {  	v7 =	vnsel vm11, $0x0, v47;
	vm12 =	vlt.s32 v13, $0xF;
	v15 =	vperm.xlane v21, v15  }
0x58: {  	vm14 =	vlt.s32 v13, $0x10;
	v48 =	vnsel vm12, $0xF, v13;
	v22 =	vperm.xlane v21, v22  }
0x59: {  	vm12 =	vlt.s32 v5, $0x10;
	v53 =	vperm.xlane v21, v7;
	v50 =	vsel vm15, v16, v15  }
0x5a: {  	v49 =	vadd.s32 $0xFFFFFFF0, v13;
	v51 =	vperm.xlane v21, v20;
	v52 =	vsel vm12, v23, v22;
	[tilespmem:$0x1F0] =	vst v50  }
0x5b: {  	vm10 =	vgt.s32 v49, $0x0;
	v56 =	vperm.xlane v21, v14;
	v5 =	vsel vm5, v19, v53;
	[tilespmem:$0x1C0] =	vst v52  }
0x5c: {  	v59 =	vperm.xlane v21, v9;
	v3 =	vperm.xlane v21, v3;
	v57 =	vsel vm13, v54, v51;
	[tilespmem:$0x1A0] =	vst v5  }
0x5d: {  	v11 =	vperm.xlane v1, v48;
	v13 =	vnsel vm10, $0x0, v49;
	v60 =	vsel vm1, v10, v56;
	[tilespmem:$0x1D0] =	vst v57  }
0x5e: {  	v13 =	vperm.xlane v21, v13;
	v62 =	vsel vm0, v58, v59;
	vm15 =	vlt.s32 v0, $0x10;
	[tilespmem:$0x190] =	vst v60  }
0x5f: {  	v12 =	vperm.xlane v1, v12;
	v6 =	vperm.xlane v21, v6;
	[tilespmem:$0x200] =	vst v62;
	v0 =	vsel vm15, v61, v3  }
0x60: {  	v55 =	vsel vm14, v11, v13;
	vm14 =	vlt.s32 v2, $0x10;
	[tilespmem:$0x180] =	vst v0  }
0x61: {  	[tilespmem:$0x1B0] =	vst v55;
	v63 =	vsel vm14, v12, v6  }
0x62: {  	[tilespmem:$0x1E0] =	vst v63  }
0x63: {  	[hbm4b:s4+s2] =	stream.linear.scatter [tilespmem:s5], [sflag:$0x1], $0x90, $0x38;
	[tilespmem:$0x280] =	vst v63  }
0x64: {  	_ =	swait.ge [sflag:s3], $0x90  }
0x65: {  	[sflag:s3] =	ssyncset.done $0x0  }
0x66: {  	[sflag:s3] =	ssyncadd.s32 $0xFFFFFF70  }
0x67: {  	_ =	sfence.sel $0x180000  }
0x68: {  	[bflag:$0x0] =	sbarrier.arrive $0xFFFF  }
0x69: {  	p0 =	sne.s32 s1, $0x0;
	_ =	strace $0x90000047  }
0x6a: {  	s0 =	sadd.s32 @!p0 $0x100000, s0;
	[bflag:$0x2] =	sbarrier.arrive $0xFFFF  }
0x6b: {  	[sflag:s0] =	ssyncadd.tile.s32 @!p0 $0x1;
	_ =	shalt  }
.Lfunc_end2:
_tile_overlayer_lowered:
.L_overlay_start_2:
0x6c: {  	(tag) =	ssettag $0x2  }
0x6d: {  	s0 =	rddreg [dreg:$0x0];
	s2 =	stileid.u32  }
0x6e: {  	s1 =	rddreg [dreg:$0x1];
	p0 =	sne.s32 s2, $0x0  }
0x6f: {  	s3 =	rddreg [dreg:$0x2];
	[bflag:$0x3] =	sbarrier.arrive $0xFFFF;
	s2 =	simm.s32 @!p0 $0x1C01  }
0x70: {  	[timem:s3], [sflag:s2] =	dma.local @!p0 [hbm:s0], s1  }
0x71: {  	s0 =	simm.s32 @!p0 $0x1  }
0x72: {  	_ =	swait.ge @!p0 [sflag:s0], s1  }
0x73: {  	s1 =	ssub.s32 @!p0 $0x0, s1;
	[sflag:s0] =	ssyncset.done @!p0 $0x0  }
0x74: {  	[sflag:s0] =	ssyncadd.s32 @!p0 s1  }
0x75: {  	[bflag:$0x3] =	sbarrier.arrive $0xFFFF  }
0x76: {  	_ =	shalt  }

</sc_bundles>
